<compile_context>
chip_gen: v7x
topology: tpu7x:2x2x1
jax: 0.10.2.dev20260603
libtpu: 0.0.44.dev20260713+nightly
codegen_flags: <defaults>
</compile_context>

<pallas_src>
import functools

import jax
import jax.numpy as jnp
from jax import lax
from jax.experimental import pallas as pl
from jax.experimental.pallas import tpu as pltpu
from jax.experimental.pallas import tpu_sc as plsc

VOCAB_N = 1000000
DIM = 64
CTX = 200
BLK = 8000
NB = VOCAB_N // BLK

SC_CORES = 2
SC_SUBCORES = 16
SC_WORKERS = SC_CORES * SC_SUBCORES
B_PER_W = 16
PAD_B = SC_WORKERS * B_PER_W
N_SLABS = VOCAB_N // 8
NROWS = PAD_B * 8
INV_CTX = 1.0 / CTX


def _sc_gather_body(table_hbm, idx_hbm, psum_hbm, idx_v, rows_v, acc_v, sem):
    wid = lax.axis_index("s") * SC_CORES + lax.axis_index("c")
    base = wid * B_PER_W
    pltpu.sync_copy(idx_hbm.at[pl.ds(base, B_PER_W)], idx_v)
    iv = idx_v[...]
    lane = lax.iota(jnp.int32, 16)

    copies = []
    for t in range(B_PER_W):
        row_t = jnp.max(jnp.where(lane == t, iv, jnp.int32(-1)))
        cp = pltpu.make_async_copy(
            table_hbm.at[pl.ds(row_t, 1)], rows_v.at[pl.ds(t, 1)], sem)
        cp.start()
        copies.append(cp)
    for cp in copies:
        cp.wait()

    accs = [jnp.zeros((16,), jnp.float32) for _ in range(DIM // 16)]
    for t in range(B_PER_W):
        wt = jnp.where((base + t) < CTX, jnp.float32(1.0), jnp.float32(0.0))
        for c in range(DIM // 16):
            accs[c] = accs[c] + rows_v[t, pl.ds(16 * c, 16)] * wt
    for c in range(DIM // 16):
        acc_v[0, pl.ds(16 * c, 16)] = accs[c]
    pltpu.sync_copy(acc_v, psum_hbm.at[pl.ds(wid, 1)])


@functools.lru_cache(maxsize=1)
def _sc_gather_call():
    return pl.kernel(
        _sc_gather_body,
        mesh=plsc.VectorSubcoreMesh(core_axis_name="c", subcore_axis_name="s"),
        compiler_params=pltpu.CompilerParams(
            needs_layout_passes=False, use_tc_tiling_on_sc=True),
        out_type=jax.ShapeDtypeStruct((SC_WORKERS, DIM), jnp.float32),
        scratch_types=[
            pltpu.VMEM((B_PER_W,), jnp.int32),
            pltpu.VMEM((B_PER_W, DIM), jnp.float32),
            pltpu.VMEM((1, DIM), jnp.float32),
            pltpu.SemaphoreType.DMA,
        ],
    )


def _cbow_body(psum_ref, wm_ref, b_ref, out_ref, m_ref, s_ref):
    i = pl.program_id(0)

    @pl.when(i == 0)
    def _init():
        m_ref[0] = -jnp.inf
        s_ref[0] = 0.0

    v = jnp.sum(psum_ref[...], axis=0, keepdims=True) * INV_CTX

    wb = wm_ref[0]
    xb = lax.dot_general(
        v, wb, (((1,), (1,)), ((), ())), preferred_element_type=jnp.float32
    )
    xb = xb + b_ref[0]
    out_ref[pl.ds(i, 1), :] = xb

    bm = jnp.max(xb)
    m_old = m_ref[0]
    m_new = jnp.maximum(m_old, bm)
    s_ref[0] = s_ref[0] * jnp.exp(m_old - m_new) + jnp.sum(jnp.exp(xb - m_new))
    m_ref[0] = m_new

    @pl.when(i == NB - 1)
    def _fin():
        lse = m_ref[0] + jnp.log(s_ref[0])
        out_ref[...] = out_ref[...] - lse


_cbow_call = pl.pallas_call(
    _cbow_body,
    grid=(NB,),
    in_specs=[
        pl.BlockSpec((SC_WORKERS, DIM), lambda i: (0, 0)),
        pl.BlockSpec((1, BLK, DIM), lambda i: (i, 0, 0)),
        pl.BlockSpec((1, 1, BLK), lambda i: (i, 0, 0)),
    ],
    out_specs=pl.BlockSpec((NB, BLK), lambda i: (0, 0)),
    out_shape=jax.ShapeDtypeStruct((NB, BLK), jnp.float32),
    scratch_shapes=[
        pltpu.SMEM((1,), jnp.float32),
        pltpu.SMEM((1,), jnp.float32),
    ],
    compiler_params=pltpu.CompilerParams(
        dimension_semantics=("arbitrary",),
    ),
)


def kernel(inputs, table, W, b):
    idx = inputs.astype(jnp.int32)
    idxp = jnp.concatenate([idx, jnp.zeros((PAD_B - CTX,), jnp.int32)])
    psum = _sc_gather_call()(table, idxp)
    out2d = _cbow_call(
        psum,
        W.reshape(NB, BLK, DIM),
        b.reshape(NB, 1, BLK),
    )
    return out2d.reshape(1, VOCAB_N)

# --- scband reference (transcript-rebuilt; emitter-appended) ---
"""Pipeline reference for scband-cbow-26216480375235 (READ-ONLY COPY).

The authoritative reference and input builder live on the scoring server;
editing this copy changes nothing except your own understanding.
"""

import jax, jax.numpy as jnp
import numpy as np

VOCAB = 1000000
EMBED_DIM = 64
CONTEXT = 200

def setup_inputs(seed: int = 0) -> dict:
    key = jax.random.key(seed)
    k_idx, k_tab, k_w, k_b = jax.random.split(key, 4)
    inputs = jax.random.randint(k_idx, (CONTEXT,), 0, VOCAB, dtype=jnp.int64)
    # nn.Embedding default init: N(0, 1)
    table = jax.random.normal(k_tab, (VOCAB, EMBED_DIM), dtype=jnp.float32)
    # nn.Linear(embedding_dim, vocab_size): weight [vocab, dim], bias [vocab]
    bound = 1.0 / np.sqrt(EMBED_DIM)
    W = jax.random.uniform(k_w, (VOCAB, EMBED_DIM), dtype=jnp.float32, minval=-bound, maxval=bound)
    b = jax.random.uniform(k_b, (VOCAB,), dtype=jnp.float32, minval=-bound, maxval=bound)
    return {"inputs": inputs, "table": table, "W": W, "b": b}

def reference(inputs, table, W, b):
    # embeds = mean(embedding(inputs), dim=0).view(1, -1)
    embeds = jnp.take(table, inputs, axis=0)          # [CONTEXT, D] gather
    mean_embed = jnp.mean(embeds, axis=0).reshape(1, -1)  # [1, D]
    # out = linear(embeds)
    out = mean_embed @ W.T + b                         # [1, VOCAB]
    # log_probs = F.log_softmax(out)  (implicit dim=1 for 2-D input)
    log_probs = jax.nn.log_softmax(out, axis=-1)
    return log_probs

if __name__ == "__main__":
    import jax
    _d = setup_inputs()
    print(jax.jit(kernel)(*tuple(_d.values())))

</pallas_src>

<mosaic_0001>
#map = affine_map<(d0, d1) -> (0, 0)>
#map1 = affine_map<(d0, d1) -> (0)>
module attributes {stable_mosaic.version = 14 : i64} {
  func.func @_sc_gather_body(%arg0: i32, %arg1: i32, %arg2: memref<1000000x64xf32, #tpu.memory_space<hbm>>, %arg3: memref<512xi32, #tpu.memory_space<hbm>>, %arg4: memref<32x64xf32, #tpu.memory_space<hbm>>, %arg5: memref<16xi32, #tpu.memory_space<vmem>>, %arg6: memref<16x64xf32, #tpu.memory_space<vmem>>, %arg7: memref<1x64xf32, #tpu.memory_space<vmem>>, %arg8: memref<!tpu.dma_semaphore, #tpu.memory_space<semaphore_mem>>) attributes {dimension_semantics = [#tpu.dimension_semantics<core_parallel>, #tpu.dimension_semantics<subcore_parallel>], iteration_bounds = array<i64: 2, 16>, scalar_prefetch = 0 : i64, scratch_operands = 4 : i64, tpu.core_type = #tpu.core_type<sc_vector_subcore>, window_params = [{transform_indices = #map}, {transform_indices = #map1}, {transform_indices = #map}]} {
    %mul3A = arith.constant 2 : i32
    %mul3A_0 = arith.muli %arg1, %mul3A : i32
    %add3A = arith.addi %mul3A_0, %arg0 : i32
    %mul3A_1 = arith.constant 16 : i32
    %mul3A_2 = arith.muli %add3A, %mul3A_1 : i32
    "tpu.region"() ({
      %run_scoped3A = tpu.sem_alloc : memref<!tpu.dma_semaphore, #tpu.memory_space<semaphore_mem>>
      %dma_start3A_1123 = tpu.memref_slice %arg3[%mul3A_2] : memref<512xi32, #tpu.memory_space<hbm>> -> memref<16xi32, #tpu.memory_space<hbm>>
      %dma_start3A_1124 = tpu.memref_slice %arg3[%mul3A_2] : memref<512xi32, #tpu.memory_space<hbm>> -> memref<16xi32, #tpu.memory_space<hbm>>
      tpu.enqueue_dma source(%dma_start3A_1124 : memref<16xi32, #tpu.memory_space<hbm>>) target(%arg5 : memref<16xi32, #tpu.memory_space<vmem>>) target_semaphore(%run_scoped3A : memref<!tpu.dma_semaphore, #tpu.memory_space<semaphore_mem>>)
      %dma_wait3A_1125 = tpu.memref_slice %arg3[%mul3A_2] : memref<512xi32, #tpu.memory_space<hbm>> -> memref<16xi32, #tpu.memory_space<hbm>>
      %dma_wait3A_1126 = tpu.memref_slice %arg3[%mul3A_2] : memref<512xi32, #tpu.memory_space<hbm>> -> memref<16xi32, #tpu.memory_space<hbm>>
      tpu.wait_dma2 semaphore(%run_scoped3A : memref<!tpu.dma_semaphore, #tpu.memory_space<semaphore_mem>>) src(%dma_wait3A_1126 : memref<16xi32, #tpu.memory_space<hbm>>) dst(%arg5 : memref<16xi32, #tpu.memory_space<vmem>>)
      tpu.yield
    }) : () -> ()
    %get3A = arith.constant 0 : index
    %get3A_3 = tpu.vector_load %arg5[%get3A] {strides = array<i32>} : memref<16xi32, #tpu.memory_space<vmem>>, vector<16xi32>,
    %iota3A = tpu.iota {dimensions = array<i32: 0>} : vector<16xi32>
    %eq3A = arith.constant 0 : i32
    %eq3A_4 = vector.broadcast %eq3A : i32 to vector<16xi32>
    %eq3A_5 = arith.cmpi eq, %iota3A, %eq3A_4 : vector<16xi32>
    %jit3A = arith.constant -1 : i32
    %broadcast_in_dim3A = vector.broadcast %jit3A : i32 to vector<16xi32>
    %select_n3A = arith.select %eq3A_5, %get3A_3, %broadcast_in_dim3A : vector<16xi1>, vector<16xi32>
    %reduce_max3A = arith.constant true
    %reduce_max3A_6 = vector.broadcast %reduce_max3A : i1 to vector<16xi1>
    %reduce_max3A_7 = arith.constant -2147483648 : i32
    %reduce_max3A_8 = vector.broadcast %reduce_max3A_7 : i32 to vector<16xi32>
    %reduce_max3A_9 = arith.xori %select_n3A, %reduce_max3A_8 : vector<16xi32>
    %reduce_max3A_10 = tpu.scan <max>, %reduce_max3A_9 masked %reduce_max3A_6 : vector<16xi32>, vector<16xi1> -> vector<16xi32>
    %reduce_max3A_11 = arith.xori %reduce_max3A_10, %reduce_max3A_8 : vector<16xi32>
    %reduce_max3A_12 = vector.extract %reduce_max3A_11[15] : i32 from vector<16xi32>
    %dma_start3A = arith.constant 0 : i32
    %dma_start3A_13 = arith.constant 0 : i32
    %dma_start3A_14 = tpu.memref_slice %arg6[%dma_start3A, %dma_start3A_13] : memref<16x64xf32, #tpu.memory_space<vmem>> -> memref<1x64xf32, #tpu.memory_space<vmem>>
    %dma_start3A_15 = arith.constant 0 : i32
    %dma_start3A_16 = tpu.memref_slice %arg2[%reduce_max3A_12, %dma_start3A_15] : memref<1000000x64xf32, #tpu.memory_space<hbm>> -> memref<1x64xf32, #tpu.memory_space<hbm>>
    %dma_start3A_17 = arith.constant 0 : i32
    %dma_start3A_18 = arith.constant 0 : i32
    %dma_start3A_19 = tpu.memref_slice %arg6[%dma_start3A_17, %dma_start3A_18] : memref<16x64xf32, #tpu.memory_space<vmem>> -> memref<1x64xf32, #tpu.memory_space<vmem>>
    %dma_start3A_20 = arith.constant 0 : i32
    %dma_start3A_21 = tpu.memref_slice %arg2[%reduce_max3A_12, %dma_start3A_20] : memref<1000000x64xf32, #tpu.memory_space<hbm>> -> memref<1x64xf32, #tpu.memory_space<hbm>>
    tpu.enqueue_dma source(%dma_start3A_21 : memref<1x64xf32, #tpu.memory_space<hbm>>) target(%dma_start3A_19 : memref<1x64xf32, #tpu.memory_space<vmem>>) target_semaphore(%arg8 : memref<!tpu.dma_semaphore, #tpu.memory_space<semaphore_mem>>)
    %eq3A_22 = arith.constant 1 : i32
    %eq3A_23 = vector.broadcast %eq3A_22 : i32 to vector<16xi32>
    %eq3A_24 = arith.cmpi eq, %iota3A, %eq3A_23 : vector<16xi32>
    %jit3A_25 = arith.constant -1 : i32
    %broadcast_in_dim3A_26 = vector.broadcast %jit3A_25 : i32 to vector<16xi32>
    %select_n3A_27 = arith.select %eq3A_24, %get3A_3, %broadcast_in_dim3A_26 : vector<16xi1>, vector<16xi32>
    %reduce_max3A_28 = arith.constant true
    %reduce_max3A_29 = vector.broadcast %reduce_max3A_28 : i1 to vector<16xi1>
    %reduce_max3A_30 = arith.constant -2147483648 : i32
    %reduce_max3A_31 = vector.broadcast %reduce_max3A_30 : i32 to vector<16xi32>
    %reduce_max3A_32 = arith.xori %select_n3A_27, %reduce_max3A_31 : vector<16xi32>
    %reduce_max3A_33 = tpu.scan <max>, %reduce_max3A_32 masked %reduce_max3A_29 : vector<16xi32>, vector<16xi1> -> vector<16xi32>
    %reduce_max3A_34 = arith.xori %reduce_max3A_33, %reduce_max3A_31 : vector<16xi32>
    %reduce_max3A_35 = vector.extract %reduce_max3A_34[15] : i32 from vector<16xi32>
    %dma_start3A_36 = arith.constant 1 : i32
    %dma_start3A_37 = arith.constant 0 : i32
    %dma_start3A_38 = tpu.memref_slice %arg6[%dma_start3A_36, %dma_start3A_37] : memref<16x64xf32, #tpu.memory_space<vmem>> -> memref<1x64xf32, #tpu.memory_space<vmem>>
    %dma_start3A_39 = arith.constant 0 : i32
    %dma_start3A_40 = tpu.memref_slice %arg2[%reduce_max3A_35, %dma_start3A_39] : memref<1000000x64xf32, #tpu.memory_space<hbm>> -> memref<1x64xf32, #tpu.memory_space<hbm>>
    %dma_start3A_41 = arith.constant 1 : i32
    %dma_start3A_42 = arith.constant 0 : i32
    %dma_start3A_43 = tpu.memref_slice %arg6[%dma_start3A_41, %dma_start3A_42] : memref<16x64xf32, #tpu.memory_space<vmem>> -> memref<1x64xf32, #tpu.memory_space<vmem>>
    %dma_start3A_44 = arith.constant 0 : i32
    %dma_start3A_45 = tpu.memref_slice %arg2[%reduce_max3A_35, %dma_start3A_44] : memref<1000000x64xf32, #tpu.memory_space<hbm>> -> memref<1x64xf32, #tpu.memory_space<hbm>>
    tpu.enqueue_dma source(%dma_start3A_45 : memref<1x64xf32, #tpu.memory_space<hbm>>) target(%dma_start3A_43 : memref<1x64xf32, #tpu.memory_space<vmem>>) target_semaphore(%arg8 : memref<!tpu.dma_semaphore, #tpu.memory_space<semaphore_mem>>)
    %eq3A_46 = arith.constant 2 : i32
    %eq3A_47 = vector.broadcast %eq3A_46 : i32 to vector<16xi32>
    %eq3A_48 = arith.cmpi eq, %iota3A, %eq3A_47 : vector<16xi32>
    %jit3A_49 = arith.constant -1 : i32
    %broadcast_in_dim3A_50 = vector.broadcast %jit3A_49 : i32 to vector<16xi32>
    %select_n3A_51 = arith.select %eq3A_48, %get3A_3, %broadcast_in_dim3A_50 : vector<16xi1>, vector<16xi32>
    %reduce_max3A_52 = arith.constant true
    %reduce_max3A_53 = vector.broadcast %reduce_max3A_52 : i1 to vector<16xi1>
    %reduce_max3A_54 = arith.constant -2147483648 : i32
    %reduce_max3A_55 = vector.broadcast %reduce_max3A_54 : i32 to vector<16xi32>
    %reduce_max3A_56 = arith.xori %select_n3A_51, %reduce_max3A_55 : vector<16xi32>
    %reduce_max3A_57 = tpu.scan <max>, %reduce_max3A_56 masked %reduce_max3A_53 : vector<16xi32>, vector<16xi1> -> vector<16xi32>
    %reduce_max3A_58 = arith.xori %reduce_max3A_57, %reduce_max3A_55 : vector<16xi32>
    %reduce_max3A_59 = vector.extract %reduce_max3A_58[15] : i32 from vector<16xi32>
    %dma_start3A_60 = arith.constant 2 : i32
    %dma_start3A_61 = arith.constant 0 : i32
    %dma_start3A_62 = tpu.memref_slice %arg6[%dma_start3A_60, %dma_start3A_61] : memref<16x64xf32, #tpu.memory_space<vmem>> -> memref<1x64xf32, #tpu.memory_space<vmem>>
    %dma_start3A_63 = arith.constant 0 : i32
    %dma_start3A_64 = tpu.memref_slice %arg2[%reduce_max3A_59, %dma_start3A_63] : memref<1000000x64xf32, #tpu.memory_space<hbm>> -> memref<1x64xf32, #tpu.memory_space<hbm>>
    %dma_start3A_65 = arith.constant 2 : i32
    %dma_start3A_66 = arith.constant 0 : i32
    %dma_start3A_67 = tpu.memref_slice %arg6[%dma_start3A_65, %dma_start3A_66] : memref<16x64xf32, #tpu.memory_space<vmem>> -> memref<1x64xf32, #tpu.memory_space<vmem>>
    %dma_start3A_68 = arith.constant 0 : i32
    %dma_start3A_69 = tpu.memref_slice %arg2[%reduce_max3A_59, %dma_start3A_68] : memref<1000000x64xf32, #tpu.memory_space<hbm>> -> memref<1x64xf32, #tpu.memory_space<hbm>>
    tpu.enqueue_dma source(%dma_start3A_69 : memref<1x64xf32, #tpu.memory_space<hbm>>) target(%dma_start3A_67 : memref<1x64xf32, #tpu.memory_space<vmem>>) target_semaphore(%arg8 : memref<!tpu.dma_semaphore, #tpu.memory_space<semaphore_mem>>)
    %eq3A_70 = arith.constant 3 : i32
    %eq3A_71 = vector.broadcast %eq3A_70 : i32 to vector<16xi32>
    %eq3A_72 = arith.cmpi eq, %iota3A, %eq3A_71 : vector<16xi32>
    %jit3A_73 = arith.constant -1 : i32
    %broadcast_in_dim3A_74 = vector.broadcast %jit3A_73 : i32 to vector<16xi32>
    %select_n3A_75 = arith.select %eq3A_72, %get3A_3, %broadcast_in_dim3A_74 : vector<16xi1>, vector<16xi32>
    %reduce_max3A_76 = arith.constant true
    %reduce_max3A_77 = vector.broadcast %reduce_max3A_76 : i1 to vector<16xi1>
    %reduce_max3A_78 = arith.constant -2147483648 : i32
    %reduce_max3A_79 = vector.broadcast %reduce_max3A_78 : i32 to vector<16xi32>
    %reduce_max3A_80 = arith.xori %select_n3A_75, %reduce_max3A_79 : vector<16xi32>
    %reduce_max3A_81 = tpu.scan <max>, %reduce_max3A_80 masked %reduce_max3A_77 : vector<16xi32>, vector<16xi1> -> vector<16xi32>
    %reduce_max3A_82 = arith.xori %reduce_max3A_81, %reduce_max3A_79 : vector<16xi32>
    %reduce_max3A_83 = vector.extract %reduce_max3A_82[15] : i32 from vector<16xi32>
    %dma_start3A_84 = arith.constant 3 : i32
    %dma_start3A_85 = arith.constant 0 : i32
    %dma_start3A_86 = tpu.memref_slice %arg6[%dma_start3A_84, %dma_start3A_85] : memref<16x64xf32, #tpu.memory_space<vmem>> -> memref<1x64xf32, #tpu.memory_space<vmem>>
    %dma_start3A_87 = arith.constant 0 : i32
    %dma_start3A_88 = tpu.memref_slice %arg2[%reduce_max3A_83, %dma_start3A_87] : memref<1000000x64xf32, #tpu.memory_space<hbm>> -> memref<1x64xf32, #tpu.memory_space<hbm>>
    %dma_start3A_89 = arith.constant 3 : i32
    %dma_start3A_90 = arith.constant 0 : i32
    %dma_start3A_91 = tpu.memref_slice %arg6[%dma_start3A_89, %dma_start3A_90] : memref<16x64xf32, #tpu.memory_space<vmem>> -> memref<1x64xf32, #tpu.memory_space<vmem>>
    %dma_start3A_92 = arith.constant 0 : i32
    %dma_start3A_93 = tpu.memref_slice %arg2[%reduce_max3A_83, %dma_start3A_92] : memref<1000000x64xf32, #tpu.memory_space<hbm>> -> memref<1x64xf32, #tpu.memory_space<hbm>>
    tpu.enqueue_dma source(%dma_start3A_93 : memref<1x64xf32, #tpu.memory_space<hbm>>) target(%dma_start3A_91 : memref<1x64xf32, #tpu.memory_space<vmem>>) target_semaphore(%arg8 : memref<!tpu.dma_semaphore, #tpu.memory_space<semaphore_mem>>)
    %eq3A_94 = arith.constant 4 : i32
    %eq3A_95 = vector.broadcast %eq3A_94 : i32 to vector<16xi32>
    %eq3A_96 = arith.cmpi eq, %iota3A, %eq3A_95 : vector<16xi32>
    %jit3A_97 = arith.constant -1 : i32
    %broadcast_in_dim3A_98 = vector.broadcast %jit3A_97 : i32 to vector<16xi32>
    %select_n3A_99 = arith.select %eq3A_96, %get3A_3, %broadcast_in_dim3A_98 : vector<16xi1>, vector<16xi32>
    %reduce_max3A_100 = arith.constant true
    %reduce_max3A_101 = vector.broadcast %reduce_max3A_100 : i1 to vector<16xi1>
    %reduce_max3A_102 = arith.constant -2147483648 : i32
    %reduce_max3A_103 = vector.broadcast %reduce_max3A_102 : i32 to vector<16xi32>
    %reduce_max3A_104 = arith.xori %select_n3A_99, %reduce_max3A_103 : vector<16xi32>
    %reduce_max3A_105 = tpu.scan <max>, %reduce_max3A_104 masked %reduce_max3A_101 : vector<16xi32>, vector<16xi1> -> vector<16xi32>
    %reduce_max3A_106 = arith.xori %reduce_max3A_105, %reduce_max3A_103 : vector<16xi32>
    %reduce_max3A_107 = vector.extract %reduce_max3A_106[15] : i32 from vector<16xi32>
    %dma_start3A_108 = arith.constant 4 : i32
    %dma_start3A_109 = arith.constant 0 : i32
    %dma_start3A_110 = tpu.memref_slice %arg6[%dma_start3A_108, %dma_start3A_109] : memref<16x64xf32, #tpu.memory_space<vmem>> -> memref<1x64xf32, #tpu.memory_space<vmem>>
    %dma_start3A_111 = arith.constant 0 : i32
    %dma_start3A_112 = tpu.memref_slice %arg2[%reduce_max3A_107, %dma_start3A_111] : memref<1000000x64xf32, #tpu.memory_space<hbm>> -> memref<1x64xf32, #tpu.memory_space<hbm>>
    %dma_start3A_113 = arith.constant 4 : i32
    %dma_start3A_114 = arith.constant 0 : i32
    %dma_start3A_115 = tpu.memref_slice %arg6[%dma_start3A_113, %dma_start3A_114] : memref<16x64xf32, #tpu.memory_space<vmem>> -> memref<1x64xf32, #tpu.memory_space<vmem>>
    %dma_start3A_116 = arith.constant 0 : i32
    %dma_start3A_117 = tpu.memref_slice %arg2[%reduce_max3A_107, %dma_start3A_116] : memref<1000000x64xf32, #tpu.memory_space<hbm>> -> memref<1x64xf32, #tpu.memory_space<hbm>>
    tpu.enqueue_dma source(%dma_start3A_117 : memref<1x64xf32, #tpu.memory_space<hbm>>) target(%dma_start3A_115 : memref<1x64xf32, #tpu.memory_space<vmem>>) target_semaphore(%arg8 : memref<!tpu.dma_semaphore, #tpu.memory_space<semaphore_mem>>)
    %eq3A_118 = arith.constant 5 : i32
    %eq3A_119 = vector.broadcast %eq3A_118 : i32 to vector<16xi32>
    %eq3A_120 = arith.cmpi eq, %iota3A, %eq3A_119 : vector<16xi32>
    %jit3A_121 = arith.constant -1 : i32
    %broadcast_in_dim3A_122 = vector.broadcast %jit3A_121 : i32 to vector<16xi32>
    %select_n3A_123 = arith.select %eq3A_120, %get3A_3, %broadcast_in_dim3A_122 : vector<16xi1>, vector<16xi32>
    %reduce_max3A_124 = arith.constant true
    %reduce_max3A_125 = vector.broadcast %reduce_max3A_124 : i1 to vector<16xi1>
    %reduce_max3A_126 = arith.constant -2147483648 : i32
    %reduce_max3A_127 = vector.broadcast %reduce_max3A_126 : i32 to vector<16xi32>
    %reduce_max3A_128 = arith.xori %select_n3A_123, %reduce_max3A_127 : vector<16xi32>
    %reduce_max3A_129 = tpu.scan <max>, %reduce_max3A_128 masked %reduce_max3A_125 : vector<16xi32>, vector<16xi1> -> vector<16xi32>
    %reduce_max3A_130 = arith.xori %reduce_max3A_129, %reduce_max3A_127 : vector<16xi32>
    %reduce_max3A_131 = vector.extract %reduce_max3A_130[15] : i32 from vector<16xi32>
    %dma_start3A_132 = arith.constant 5 : i32
    %dma_start3A_133 = arith.constant 0 : i32
    %dma_start3A_134 = tpu.memref_slice %arg6[%dma_start3A_132, %dma_start3A_133] : memref<16x64xf32, #tpu.memory_space<vmem>> -> memref<1x64xf32, #tpu.memory_space<vmem>>
    %dma_start3A_135 = arith.constant 0 : i32
    %dma_start3A_136 = tpu.memref_slice %arg2[%reduce_max3A_131, %dma_start3A_135] : memref<1000000x64xf32, #tpu.memory_space<hbm>> -> memref<1x64xf32, #tpu.memory_space<hbm>>
    %dma_start3A_137 = arith.constant 5 : i32
    %dma_start3A_138 = arith.constant 0 : i32
    %dma_start3A_139 = tpu.memref_slice %arg6[%dma_start3A_137, %dma_start3A_138] : memref<16x64xf32, #tpu.memory_space<vmem>> -> memref<1x64xf32, #tpu.memory_space<vmem>>
    %dma_start3A_140 = arith.constant 0 : i32
    %dma_start3A_141 = tpu.memref_slice %arg2[%reduce_max3A_131, %dma_start3A_140] : memref<1000000x64xf32, #tpu.memory_space<hbm>> -> memref<1x64xf32, #tpu.memory_space<hbm>>
    tpu.enqueue_dma source(%dma_start3A_141 : memref<1x64xf32, #tpu.memory_space<hbm>>) target(%dma_start3A_139 : memref<1x64xf32, #tpu.memory_space<vmem>>) target_semaphore(%arg8 : memref<!tpu.dma_semaphore, #tpu.memory_space<semaphore_mem>>)
    %eq3A_142 = arith.constant 6 : i32
    %eq3A_143 = vector.broadcast %eq3A_142 : i32 to vector<16xi32>
    %eq3A_144 = arith.cmpi eq, %iota3A, %eq3A_143 : vector<16xi32>
    %jit3A_145 = arith.constant -1 : i32
    %broadcast_in_dim3A_146 = vector.broadcast %jit3A_145 : i32 to vector<16xi32>
    %select_n3A_147 = arith.select %eq3A_144, %get3A_3, %broadcast_in_dim3A_146 : vector<16xi1>, vector<16xi32>
    %reduce_max3A_148 = arith.constant true
    %reduce_max3A_149 = vector.broadcast %reduce_max3A_148 : i1 to vector<16xi1>
    %reduce_max3A_150 = arith.constant -2147483648 : i32
    %reduce_max3A_151 = vector.broadcast %reduce_max3A_150 : i32 to vector<16xi32>
    %reduce_max3A_152 = arith.xori %select_n3A_147, %reduce_max3A_151 : vector<16xi32>
    %reduce_max3A_153 = tpu.scan <max>, %reduce_max3A_152 masked %reduce_max3A_149 : vector<16xi32>, vector<16xi1> -> vector<16xi32>
    %reduce_max3A_154 = arith.xori %reduce_max3A_153, %reduce_max3A_151 : vector<16xi32>
    %reduce_max3A_155 = vector.extract %reduce_max3A_154[15] : i32 from vector<16xi32>
    %dma_start3A_156 = arith.constant 6 : i32
    %dma_start3A_157 = arith.constant 0 : i32
    %dma_start3A_158 = tpu.memref_slice %arg6[%dma_start3A_156, %dma_start3A_157] : memref<16x64xf32, #tpu.memory_space<vmem>> -> memref<1x64xf32, #tpu.memory_space<vmem>>
    %dma_start3A_159 = arith.constant 0 : i32
    %dma_start3A_160 = tpu.memref_slice %arg2[%reduce_max3A_155, %dma_start3A_159] : memref<1000000x64xf32, #tpu.memory_space<hbm>> -> memref<1x64xf32, #tpu.memory_space<hbm>>
    %dma_start3A_161 = arith.constant 6 : i32
    %dma_start3A_162 = arith.constant 0 : i32
    %dma_start3A_163 = tpu.memref_slice %arg6[%dma_start3A_161, %dma_start3A_162] : memref<16x64xf32, #tpu.memory_space<vmem>> -> memref<1x64xf32, #tpu.memory_space<vmem>>
    %dma_start3A_164 = arith.constant 0 : i32
    %dma_start3A_165 = tpu.memref_slice %arg2[%reduce_max3A_155, %dma_start3A_164] : memref<1000000x64xf32, #tpu.memory_space<hbm>> -> memref<1x64xf32, #tpu.memory_space<hbm>>
    tpu.enqueue_dma source(%dma_start3A_165 : memref<1x64xf32, #tpu.memory_space<hbm>>) target(%dma_start3A_163 : memref<1x64xf32, #tpu.memory_space<vmem>>) target_semaphore(%arg8 : memref<!tpu.dma_semaphore, #tpu.memory_space<semaphore_mem>>)
    %eq3A_166 = arith.constant 7 : i32
    %eq3A_167 = vector.broadcast %eq3A_166 : i32 to vector<16xi32>
    %eq3A_168 = arith.cmpi eq, %iota3A, %eq3A_167 : vector<16xi32>
    %jit3A_169 = arith.constant -1 : i32
    %broadcast_in_dim3A_170 = vector.broadcast %jit3A_169 : i32 to vector<16xi32>
    %select_n3A_171 = arith.select %eq3A_168, %get3A_3, %broadcast_in_dim3A_170 : vector<16xi1>, vector<16xi32>
    %reduce_max3A_172 = arith.constant true
    %reduce_max3A_173 = vector.broadcast %reduce_max3A_172 : i1 to vector<16xi1>
    %reduce_max3A_174 = arith.constant -2147483648 : i32
    %reduce_max3A_175 = vector.broadcast %reduce_max3A_174 : i32 to vector<16xi32>
    %reduce_max3A_176 = arith.xori %select_n3A_171, %reduce_max3A_175 : vector<16xi32>
    %reduce_max3A_177 = tpu.scan <max>, %reduce_max3A_176 masked %reduce_max3A_173 : vector<16xi32>, vector<16xi1> -> vector<16xi32>
    %reduce_max3A_178 = arith.xori %reduce_max3A_177, %reduce_max3A_175 : vector<16xi32>
    %reduce_max3A_179 = vector.extract %reduce_max3A_178[15] : i32 from vector<16xi32>
    %dma_start3A_180 = arith.constant 7 : i32
    %dma_start3A_181 = arith.constant 0 : i32
    %dma_start3A_182 = tpu.memref_slice %arg6[%dma_start3A_180, %dma_start3A_181] : memref<16x64xf32, #tpu.memory_space<vmem>> -> memref<1x64xf32, #tpu.memory_space<vmem>>
    %dma_start3A_183 = arith.constant 0 : i32
    %dma_start3A_184 = tpu.memref_slice %arg2[%reduce_max3A_179, %dma_start3A_183] : memref<1000000x64xf32, #tpu.memory_space<hbm>> -> memref<1x64xf32, #tpu.memory_space<hbm>>
    %dma_start3A_185 = arith.constant 7 : i32
    %dma_start3A_186 = arith.constant 0 : i32
    %dma_start3A_187 = tpu.memref_slice %arg6[%dma_start3A_185, %dma_start3A_186] : memref<16x64xf32, #tpu.memory_space<vmem>> -> memref<1x64xf32, #tpu.memory_space<vmem>>
    %dma_start3A_188 = arith.constant 0 : i32
    %dma_start3A_189 = tpu.memref_slice %arg2[%reduce_max3A_179, %dma_start3A_188] : memref<1000000x64xf32, #tpu.memory_space<hbm>> -> memref<1x64xf32, #tpu.memory_space<hbm>>
    tpu.enqueue_dma source(%dma_start3A_189 : memref<1x64xf32, #tpu.memory_space<hbm>>) target(%dma_start3A_187 : memref<1x64xf32, #tpu.memory_space<vmem>>) target_semaphore(%arg8 : memref<!tpu.dma_semaphore, #tpu.memory_space<semaphore_mem>>)
    %eq3A_190 = arith.constant 8 : i32
    %eq3A_191 = vector.broadcast %eq3A_190 : i32 to vector<16xi32>
    %eq3A_192 = arith.cmpi eq, %iota3A, %eq3A_191 : vector<16xi32>
    %jit3A_193 = arith.constant -1 : i32
    %broadcast_in_dim3A_194 = vector.broadcast %jit3A_193 : i32 to vector<16xi32>
    %select_n3A_195 = arith.select %eq3A_192, %get3A_3, %broadcast_in_dim3A_194 : vector<16xi1>, vector<16xi32>
    %reduce_max3A_196 = arith.constant true
    %reduce_max3A_197 = vector.broadcast %reduce_max3A_196 : i1 to vector<16xi1>
    %reduce_max3A_198 = arith.constant -2147483648 : i32
    %reduce_max3A_199 = vector.broadcast %reduce_max3A_198 : i32 to vector<16xi32>
    %reduce_max3A_200 = arith.xori %select_n3A_195, %reduce_max3A_199 : vector<16xi32>
    %reduce_max3A_201 = tpu.scan <max>, %reduce_max3A_200 masked %reduce_max3A_197 : vector<16xi32>, vector<16xi1> -> vector<16xi32>
    %reduce_max3A_202 = arith.xori %reduce_max3A_201, %reduce_max3A_199 : vector<16xi32>
    %reduce_max3A_203 = vector.extract %reduce_max3A_202[15] : i32 from vector<16xi32>
    %dma_start3A_204 = arith.constant 8 : i32
    %dma_start3A_205 = arith.constant 0 : i32
    %dma_start3A_206 = tpu.memref_slice %arg6[%dma_start3A_204, %dma_start3A_205] : memref<16x64xf32, #tpu.memory_space<vmem>> -> memref<1x64xf32, #tpu.memory_space<vmem>>
    %dma_start3A_207 = arith.constant 0 : i32
    %dma_start3A_208 = tpu.memref_slice %arg2[%reduce_max3A_203, %dma_start3A_207] : memref<1000000x64xf32, #tpu.memory_space<hbm>> -> memref<1x64xf32, #tpu.memory_space<hbm>>
    %dma_start3A_209 = arith.constant 8 : i32
    %dma_start3A_210 = arith.constant 0 : i32
    %dma_start3A_211 = tpu.memref_slice %arg6[%dma_start3A_209, %dma_start3A_210] : memref<16x64xf32, #tpu.memory_space<vmem>> -> memref<1x64xf32, #tpu.memory_space<vmem>>
    %dma_start3A_212 = arith.constant 0 : i32
    %dma_start3A_213 = tpu.memref_slice %arg2[%reduce_max3A_203, %dma_start3A_212] : memref<1000000x64xf32, #tpu.memory_space<hbm>> -> memref<1x64xf32, #tpu.memory_space<hbm>>
    tpu.enqueue_dma source(%dma_start3A_213 : memref<1x64xf32, #tpu.memory_space<hbm>>) target(%dma_start3A_211 : memref<1x64xf32, #tpu.memory_space<vmem>>) target_semaphore(%arg8 : memref<!tpu.dma_semaphore, #tpu.memory_space<semaphore_mem>>)
    %eq3A_214 = arith.constant 9 : i32
    %eq3A_215 = vector.broadcast %eq3A_214 : i32 to vector<16xi32>
    %eq3A_216 = arith.cmpi eq, %iota3A, %eq3A_215 : vector<16xi32>
    %jit3A_217 = arith.constant -1 : i32
    %broadcast_in_dim3A_218 = vector.broadcast %jit3A_217 : i32 to vector<16xi32>
    %select_n3A_219 = arith.select %eq3A_216, %get3A_3, %broadcast_in_dim3A_218 : vector<16xi1>, vector<16xi32>
    %reduce_max3A_220 = arith.constant true
    %reduce_max3A_221 = vector.broadcast %reduce_max3A_220 : i1 to vector<16xi1>
    %reduce_max3A_222 = arith.constant -2147483648 : i32
    %reduce_max3A_223 = vector.broadcast %reduce_max3A_222 : i32 to vector<16xi32>
    %reduce_max3A_224 = arith.xori %select_n3A_219, %reduce_max3A_223 : vector<16xi32>
    %reduce_max3A_225 = tpu.scan <max>, %reduce_max3A_224 masked %reduce_max3A_221 : vector<16xi32>, vector<16xi1> -> vector<16xi32>
    %reduce_max3A_226 = arith.xori %reduce_max3A_225, %reduce_max3A_223 : vector<16xi32>
    %reduce_max3A_227 = vector.extract %reduce_max3A_226[15] : i32 from vector<16xi32>
    %dma_start3A_228 = arith.constant 9 : i32
    %dma_start3A_229 = arith.constant 0 : i32
    %dma_start3A_230 = tpu.memref_slice %arg6[%dma_start3A_228, %dma_start3A_229] : memref<16x64xf32, #tpu.memory_space<vmem>> -> memref<1x64xf32, #tpu.memory_space<vmem>>
    %dma_start3A_231 = arith.constant 0 : i32
    %dma_start3A_232 = tpu.memref_slice %arg2[%reduce_max3A_227, %dma_start3A_231] : memref<1000000x64xf32, #tpu.memory_space<hbm>> -> memref<1x64xf32, #tpu.memory_space<hbm>>
    %dma_start3A_233 = arith.constant 9 : i32
    %dma_start3A_234 = arith.constant 0 : i32
    %dma_start3A_235 = tpu.memref_slice %arg6[%dma_start3A_233, %dma_start3A_234] : memref<16x64xf32, #tpu.memory_space<vmem>> -> memref<1x64xf32, #tpu.memory_space<vmem>>
    %dma_start3A_236 = arith.constant 0 : i32
    %dma_start3A_237 = tpu.memref_slice %arg2[%reduce_max3A_227, %dma_start3A_236] : memref<1000000x64xf32, #tpu.memory_space<hbm>> -> memref<1x64xf32, #tpu.memory_space<hbm>>
    tpu.enqueue_dma source(%dma_start3A_237 : memref<1x64xf32, #tpu.memory_space<hbm>>) target(%dma_start3A_235 : memref<1x64xf32, #tpu.memory_space<vmem>>) target_semaphore(%arg8 : memref<!tpu.dma_semaphore, #tpu.memory_space<semaphore_mem>>)
    %eq3A_238 = arith.constant 10 : i32
    %eq3A_239 = vector.broadcast %eq3A_238 : i32 to vector<16xi32>
    %eq3A_240 = arith.cmpi eq, %iota3A, %eq3A_239 : vector<16xi32>
    %jit3A_241 = arith.constant -1 : i32
    %broadcast_in_dim3A_242 = vector.broadcast %jit3A_241 : i32 to vector<16xi32>
    %select_n3A_243 = arith.select %eq3A_240, %get3A_3, %broadcast_in_dim3A_242 : vector<16xi1>, vector<16xi32>
    %reduce_max3A_244 = arith.constant true
    %reduce_max3A_245 = vector.broadcast %reduce_max3A_244 : i1 to vector<16xi1>
    %reduce_max3A_246 = arith.constant -2147483648 : i32
    %reduce_max3A_247 = vector.broadcast %reduce_max3A_246 : i32 to vector<16xi32>
    %reduce_max3A_248 = arith.xori %select_n3A_243, %reduce_max3A_247 : vector<16xi32>
    %reduce_max3A_249 = tpu.scan <max>, %reduce_max3A_248 masked %reduce_max3A_245 : vector<16xi32>, vector<16xi1> -> vector<16xi32>
    %reduce_max3A_250 = arith.xori %reduce_max3A_249, %reduce_max3A_247 : vector<16xi32>
    %reduce_max3A_251 = vector.extract %reduce_max3A_250[15] : i32 from vector<16xi32>
    %dma_start3A_252 = arith.constant 10 : i32
    %dma_start3A_253 = arith.constant 0 : i32
    %dma_start3A_254 = tpu.memref_slice %arg6[%dma_start3A_252, %dma_start3A_253] : memref<16x64xf32, #tpu.memory_space<vmem>> -> memref<1x64xf32, #tpu.memory_space<vmem>>
    %dma_start3A_255 = arith.constant 0 : i32
    %dma_start3A_256 = tpu.memref_slice %arg2[%reduce_max3A_251, %dma_start3A_255] : memref<1000000x64xf32, #tpu.memory_space<hbm>> -> memref<1x64xf32, #tpu.memory_space<hbm>>
    %dma_start3A_257 = arith.constant 10 : i32
    %dma_start3A_258 = arith.constant 0 : i32
    %dma_start3A_259 = tpu.memref_slice %arg6[%dma_start3A_257, %dma_start3A_258] : memref<16x64xf32, #tpu.memory_space<vmem>> -> memref<1x64xf32, #tpu.memory_space<vmem>>
    %dma_start3A_260 = arith.constant 0 : i32
    %dma_start3A_261 = tpu.memref_slice %arg2[%reduce_max3A_251, %dma_start3A_260] : memref<1000000x64xf32, #tpu.memory_space<hbm>> -> memref<1x64xf32, #tpu.memory_space<hbm>>
    tpu.enqueue_dma source(%dma_start3A_261 : memref<1x64xf32, #tpu.memory_space<hbm>>) target(%dma_start3A_259 : memref<1x64xf32, #tpu.memory_space<vmem>>) target_semaphore(%arg8 : memref<!tpu.dma_semaphore, #tpu.memory_space<semaphore_mem>>)
    %eq3A_262 = arith.constant 11 : i32
    %eq3A_263 = vector.broadcast %eq3A_262 : i32 to vector<16xi32>
    %eq3A_264 = arith.cmpi eq, %iota3A, %eq3A_263 : vector<16xi32>
    %jit3A_265 = arith.constant -1 : i32
    %broadcast_in_dim3A_266 = vector.broadcast %jit3A_265 : i32 to vector<16xi32>
    %select_n3A_267 = arith.select %eq3A_264, %get3A_3, %broadcast_in_dim3A_266 : vector<16xi1>, vector<16xi32>
    %reduce_max3A_268 = arith.constant true
    %reduce_max3A_269 = vector.broadcast %reduce_max3A_268 : i1 to vector<16xi1>
    %reduce_max3A_270 = arith.constant -2147483648 : i32
    %reduce_max3A_271 = vector.broadcast %reduce_max3A_270 : i32 to vector<16xi32>
    %reduce_max3A_272 = arith.xori %select_n3A_267, %reduce_max3A_271 : vector<16xi32>
    %reduce_max3A_273 = tpu.scan <max>, %reduce_max3A_272 masked %reduce_max3A_269 : vector<16xi32>, vector<16xi1> -> vector<16xi32>
    %reduce_max3A_274 = arith.xori %reduce_max3A_273, %reduce_max3A_271 : vector<16xi32>
    %reduce_max3A_275 = vector.extract %reduce_max3A_274[15] : i32 from vector<16xi32>
    %dma_start3A_276 = arith.constant 11 : i32
    %dma_start3A_277 = arith.constant 0 : i32
    %dma_start3A_278 = tpu.memref_slice %arg6[%dma_start3A_276, %dma_start3A_277] : memref<16x64xf32, #tpu.memory_space<vmem>> -> memref<1x64xf32, #tpu.memory_space<vmem>>
    %dma_start3A_279 = arith.constant 0 : i32
    %dma_start3A_280 = tpu.memref_slice %arg2[%reduce_max3A_275, %dma_start3A_279] : memref<1000000x64xf32, #tpu.memory_space<hbm>> -> memref<1x64xf32, #tpu.memory_space<hbm>>
    %dma_start3A_281 = arith.constant 11 : i32
    %dma_start3A_282 = arith.constant 0 : i32
    %dma_start3A_283 = tpu.memref_slice %arg6[%dma_start3A_281, %dma_start3A_282] : memref<16x64xf32, #tpu.memory_space<vmem>> -> memref<1x64xf32, #tpu.memory_space<vmem>>
    %dma_start3A_284 = arith.constant 0 : i32
    %dma_start3A_285 = tpu.memref_slice %arg2[%reduce_max3A_275, %dma_start3A_284] : memref<1000000x64xf32, #tpu.memory_space<hbm>> -> memref<1x64xf32, #tpu.memory_space<hbm>>
    tpu.enqueue_dma source(%dma_start3A_285 : memref<1x64xf32, #tpu.memory_space<hbm>>) target(%dma_start3A_283 : memref<1x64xf32, #tpu.memory_space<vmem>>) target_semaphore(%arg8 : memref<!tpu.dma_semaphore, #tpu.memory_space<semaphore_mem>>)
    %eq3A_286 = arith.constant 12 : i32
    %eq3A_287 = vector.broadcast %eq3A_286 : i32 to vector<16xi32>
    %eq3A_288 = arith.cmpi eq, %iota3A, %eq3A_287 : vector<16xi32>
    %jit3A_289 = arith.constant -1 : i32
    %broadcast_in_dim3A_290 = vector.broadcast %jit3A_289 : i32 to vector<16xi32>
    %select_n3A_291 = arith.select %eq3A_288, %get3A_3, %broadcast_in_dim3A_290 : vector<16xi1>, vector<16xi32>
    %reduce_max3A_292 = arith.constant true
    %reduce_max3A_293 = vector.broadcast %reduce_max3A_292 : i1 to vector<16xi1>
    %reduce_max3A_294 = arith.constant -2147483648 : i32
    %reduce_max3A_295 = vector.broadcast %reduce_max3A_294 : i32 to vector<16xi32>
    %reduce_max3A_296 = arith.xori %select_n3A_291, %reduce_max3A_295 : vector<16xi32>
    %reduce_max3A_297 = tpu.scan <max>, %reduce_max3A_296 masked %reduce_max3A_293 : vector<16xi32>, vector<16xi1> -> vector<16xi32>
    %reduce_max3A_298 = arith.xori %reduce_max3A_297, %reduce_max3A_295 : vector<16xi32>
    %reduce_max3A_299 = vector.extract %reduce_max3A_298[15] : i32 from vector<16xi32>
    %dma_start3A_300 = arith.constant 12 : i32
    %dma_start3A_301 = arith.constant 0 : i32
    %dma_start3A_302 = tpu.memref_slice %arg6[%dma_start3A_300, %dma_start3A_301] : memref<16x64xf32, #tpu.memory_space<vmem>> -> memref<1x64xf32, #tpu.memory_space<vmem>>
    %dma_start3A_303 = arith.constant 0 : i32
    %dma_start3A_304 = tpu.memref_slice %arg2[%reduce_max3A_299, %dma_start3A_303] : memref<1000000x64xf32, #tpu.memory_space<hbm>> -> memref<1x64xf32, #tpu.memory_space<hbm>>
    %dma_start3A_305 = arith.constant 12 : i32
    %dma_start3A_306 = arith.constant 0 : i32
    %dma_start3A_307 = tpu.memref_slice %arg6[%dma_start3A_305, %dma_start3A_306] : memref<16x64xf32, #tpu.memory_space<vmem>> -> memref<1x64xf32, #tpu.memory_space<vmem>>
    %dma_start3A_308 = arith.constant 0 : i32
    %dma_start3A_309 = tpu.memref_slice %arg2[%reduce_max3A_299, %dma_start3A_308] : memref<1000000x64xf32, #tpu.memory_space<hbm>> -> memref<1x64xf32, #tpu.memory_space<hbm>>
    tpu.enqueue_dma source(%dma_start3A_309 : memref<1x64xf32, #tpu.memory_space<hbm>>) target(%dma_start3A_307 : memref<1x64xf32, #tpu.memory_space<vmem>>) target_semaphore(%arg8 : memref<!tpu.dma_semaphore, #tpu.memory_space<semaphore_mem>>)
    %eq3A_310 = arith.constant 13 : i32
    %eq3A_311 = vector.broadcast %eq3A_310 : i32 to vector<16xi32>
    %eq3A_312 = arith.cmpi eq, %iota3A, %eq3A_311 : vector<16xi32>
    %jit3A_313 = arith.constant -1 : i32
    %broadcast_in_dim3A_314 = vector.broadcast %jit3A_313 : i32 to vector<16xi32>
    %select_n3A_315 = arith.select %eq3A_312, %get3A_3, %broadcast_in_dim3A_314 : vector<16xi1>, vector<16xi32>
    %reduce_max3A_316 = arith.constant true
    %reduce_max3A_317 = vector.broadcast %reduce_max3A_316 : i1 to vector<16xi1>
    %reduce_max3A_318 = arith.constant -2147483648 : i32
    %reduce_max3A_319 = vector.broadcast %reduce_max3A_318 : i32 to vector<16xi32>
    %reduce_max3A_320 = arith.xori %select_n3A_315, %reduce_max3A_319 : vector<16xi32>
    %reduce_max3A_321 = tpu.scan <max>, %reduce_max3A_320 masked %reduce_max3A_317 : vector<16xi32>, vector<16xi1> -> vector<16xi32>
    %reduce_max3A_322 = arith.xori %reduce_max3A_321, %reduce_max3A_319 : vector<16xi32>
    %reduce_max3A_323 = vector.extract %reduce_max3A_322[15] : i32 from vector<16xi32>
    %dma_start3A_324 = arith.constant 13 : i32
    %dma_start3A_325 = arith.constant 0 : i32
    %dma_start3A_326 = tpu.memref_slice %arg6[%dma_start3A_324, %dma_start3A_325] : memref<16x64xf32, #tpu.memory_space<vmem>> -> memref<1x64xf32, #tpu.memory_space<vmem>>
    %dma_start3A_327 = arith.constant 0 : i32
    %dma_start3A_328 = tpu.memref_slice %arg2[%reduce_max3A_323, %dma_start3A_327] : memref<1000000x64xf32, #tpu.memory_space<hbm>> -> memref<1x64xf32, #tpu.memory_space<hbm>>
    %dma_start3A_329 = arith.constant 13 : i32
    %dma_start3A_330 = arith.constant 0 : i32
    %dma_start3A_331 = tpu.memref_slice %arg6[%dma_start3A_329, %dma_start3A_330] : memref<16x64xf32, #tpu.memory_space<vmem>> -> memref<1x64xf32, #tpu.memory_space<vmem>>
    %dma_start3A_332 = arith.constant 0 : i32
    %dma_start3A_333 = tpu.memref_slice %arg2[%reduce_max3A_323, %dma_start3A_332] : memref<1000000x64xf32, #tpu.memory_space<hbm>> -> memref<1x64xf32, #tpu.memory_space<hbm>>
    tpu.enqueue_dma source(%dma_start3A_333 : memref<1x64xf32, #tpu.memory_space<hbm>>) target(%dma_start3A_331 : memref<1x64xf32, #tpu.memory_space<vmem>>) target_semaphore(%arg8 : memref<!tpu.dma_semaphore, #tpu.memory_space<semaphore_mem>>)
    %eq3A_334 = arith.constant 14 : i32
    %eq3A_335 = vector.broadcast %eq3A_334 : i32 to vector<16xi32>
    %eq3A_336 = arith.cmpi eq, %iota3A, %eq3A_335 : vector<16xi32>
    %jit3A_337 = arith.constant -1 : i32
    %broadcast_in_dim3A_338 = vector.broadcast %jit3A_337 : i32 to vector<16xi32>
    %select_n3A_339 = arith.select %eq3A_336, %get3A_3, %broadcast_in_dim3A_338 : vector<16xi1>, vector<16xi32>
    %reduce_max3A_340 = arith.constant true
    %reduce_max3A_341 = vector.broadcast %reduce_max3A_340 : i1 to vector<16xi1>
    %reduce_max3A_342 = arith.constant -2147483648 : i32
    %reduce_max3A_343 = vector.broadcast %reduce_max3A_342 : i32 to vector<16xi32>
    %reduce_max3A_344 = arith.xori %select_n3A_339, %reduce_max3A_343 : vector<16xi32>
    %reduce_max3A_345 = tpu.scan <max>, %reduce_max3A_344 masked %reduce_max3A_341 : vector<16xi32>, vector<16xi1> -> vector<16xi32>
    %reduce_max3A_346 = arith.xori %reduce_max3A_345, %reduce_max3A_343 : vector<16xi32>
    %reduce_max3A_347 = vector.extract %reduce_max3A_346[15] : i32 from vector<16xi32>
    %dma_start3A_348 = arith.constant 14 : i32
    %dma_start3A_349 = arith.constant 0 : i32
    %dma_start3A_350 = tpu.memref_slice %arg6[%dma_start3A_348, %dma_start3A_349] : memref<16x64xf32, #tpu.memory_space<vmem>> -> memref<1x64xf32, #tpu.memory_space<vmem>>
    %dma_start3A_351 = arith.constant 0 : i32
    %dma_start3A_352 = tpu.memref_slice %arg2[%reduce_max3A_347, %dma_start3A_351] : memref<1000000x64xf32, #tpu.memory_space<hbm>> -> memref<1x64xf32, #tpu.memory_space<hbm>>
    %dma_start3A_353 = arith.constant 14 : i32
    %dma_start3A_354 = arith.constant 0 : i32
    %dma_start3A_355 = tpu.memref_slice %arg6[%dma_start3A_353, %dma_start3A_354] : memref<16x64xf32, #tpu.memory_space<vmem>> -> memref<1x64xf32, #tpu.memory_space<vmem>>
    %dma_start3A_356 = arith.constant 0 : i32
    %dma_start3A_357 = tpu.memref_slice %arg2[%reduce_max3A_347, %dma_start3A_356] : memref<1000000x64xf32, #tpu.memory_space<hbm>> -> memref<1x64xf32, #tpu.memory_space<hbm>>
    tpu.enqueue_dma source(%dma_start3A_357 : memref<1x64xf32, #tpu.memory_space<hbm>>) target(%dma_start3A_355 : memref<1x64xf32, #tpu.memory_space<vmem>>) target_semaphore(%arg8 : memref<!tpu.dma_semaphore, #tpu.memory_space<semaphore_mem>>)
    %eq3A_358 = arith.constant 15 : i32
    %eq3A_359 = vector.broadcast %eq3A_358 : i32 to vector<16xi32>
    %eq3A_360 = arith.cmpi eq, %iota3A, %eq3A_359 : vector<16xi32>
    %jit3A_361 = arith.constant -1 : i32
    %broadcast_in_dim3A_362 = vector.broadcast %jit3A_361 : i32 to vector<16xi32>
    %select_n3A_363 = arith.select %eq3A_360, %get3A_3, %broadcast_in_dim3A_362 : vector<16xi1>, vector<16xi32>
    %reduce_max3A_364 = arith.constant true
    %reduce_max3A_365 = vector.broadcast %reduce_max3A_364 : i1 to vector<16xi1>
    %reduce_max3A_366 = arith.constant -2147483648 : i32
    %reduce_max3A_367 = vector.broadcast %reduce_max3A_366 : i32 to vector<16xi32>
    %reduce_max3A_368 = arith.xori %select_n3A_363, %reduce_max3A_367 : vector<16xi32>
    %reduce_max3A_369 = tpu.scan <max>, %reduce_max3A_368 masked %reduce_max3A_365 : vector<16xi32>, vector<16xi1> -> vector<16xi32>
    %reduce_max3A_370 = arith.xori %reduce_max3A_369, %reduce_max3A_367 : vector<16xi32>
    %reduce_max3A_371 = vector.extract %reduce_max3A_370[15] : i32 from vector<16xi32>
    %dma_start3A_372 = arith.constant 15 : i32
    %dma_start3A_373 = arith.constant 0 : i32
    %dma_start3A_374 = tpu.memref_slice %arg6[%dma_start3A_372, %dma_start3A_373] : memref<16x64xf32, #tpu.memory_space<vmem>> -> memref<1x64xf32, #tpu.memory_space<vmem>>
    %dma_start3A_375 = arith.constant 0 : i32
    %dma_start3A_376 = tpu.memref_slice %arg2[%reduce_max3A_371, %dma_start3A_375] : memref<1000000x64xf32, #tpu.memory_space<hbm>> -> memref<1x64xf32, #tpu.memory_space<hbm>>
    %dma_start3A_377 = arith.constant 15 : i32
    %dma_start3A_378 = arith.constant 0 : i32
    %dma_start3A_379 = tpu.memref_slice %arg6[%dma_start3A_377, %dma_start3A_378] : memref<16x64xf32, #tpu.memory_space<vmem>> -> memref<1x64xf32, #tpu.memory_space<vmem>>
    %dma_start3A_380 = arith.constant 0 : i32
    %dma_start3A_381 = tpu.memref_slice %arg2[%reduce_max3A_371, %dma_start3A_380] : memref<1000000x64xf32, #tpu.memory_space<hbm>> -> memref<1x64xf32, #tpu.memory_space<hbm>>
    tpu.enqueue_dma source(%dma_start3A_381 : memref<1x64xf32, #tpu.memory_space<hbm>>) target(%dma_start3A_379 : memref<1x64xf32, #tpu.memory_space<vmem>>) target_semaphore(%arg8 : memref<!tpu.dma_semaphore, #tpu.memory_space<semaphore_mem>>)
    %dma_wait3A = arith.constant 0 : i32
    %dma_wait3A_382 = arith.constant 0 : i32
    %dma_wait3A_383 = tpu.memref_slice %arg6[%dma_wait3A, %dma_wait3A_382] : memref<16x64xf32, #tpu.memory_space<vmem>> -> memref<1x64xf32, #tpu.memory_space<vmem>>
    %dma_wait3A_384 = arith.constant 0 : i32
    %dma_wait3A_385 = tpu.memref_slice %arg2[%reduce_max3A_12, %dma_wait3A_384] : memref<1000000x64xf32, #tpu.memory_space<hbm>> -> memref<1x64xf32, #tpu.memory_space<hbm>>
    %dma_wait3A_386 = arith.constant 0 : i32
    %dma_wait3A_387 = arith.constant 0 : i32
    %dma_wait3A_388 = tpu.memref_slice %arg6[%dma_wait3A_386, %dma_wait3A_387] : memref<16x64xf32, #tpu.memory_space<vmem>> -> memref<1x64xf32, #tpu.memory_space<vmem>>
    %dma_wait3A_389 = arith.constant 0 : i32
    %dma_wait3A_390 = tpu.memref_slice %arg2[%reduce_max3A_12, %dma_wait3A_389] : memref<1000000x64xf32, #tpu.memory_space<hbm>> -> memref<1x64xf32, #tpu.memory_space<hbm>>
    tpu.wait_dma2 semaphore(%arg8 : memref<!tpu.dma_semaphore, #tpu.memory_space<semaphore_mem>>) src(%dma_wait3A_390 : memref<1x64xf32, #tpu.memory_space<hbm>>) dst(%dma_wait3A_388 : memref<1x64xf32, #tpu.memory_space<vmem>>)
    %dma_wait3A_391 = arith.constant 1 : i32
    %dma_wait3A_392 = arith.constant 0 : i32
    %dma_wait3A_393 = tpu.memref_slice %arg6[%dma_wait3A_391, %dma_wait3A_392] : memref<16x64xf32, #tpu.memory_space<vmem>> -> memref<1x64xf32, #tpu.memory_space<vmem>>
    %dma_wait3A_394 = arith.constant 0 : i32
    %dma_wait3A_395 = tpu.memref_slice %arg2[%reduce_max3A_35, %dma_wait3A_394] : memref<1000000x64xf32, #tpu.memory_space<hbm>> -> memref<1x64xf32, #tpu.memory_space<hbm>>
    %dma_wait3A_396 = arith.constant 1 : i32
    %dma_wait3A_397 = arith.constant 0 : i32
    %dma_wait3A_398 = tpu.memref_slice %arg6[%dma_wait3A_396, %dma_wait3A_397] : memref<16x64xf32, #tpu.memory_space<vmem>> -> memref<1x64xf32, #tpu.memory_space<vmem>>
    %dma_wait3A_399 = arith.constant 0 : i32
    %dma_wait3A_400 = tpu.memref_slice %arg2[%reduce_max3A_35, %dma_wait3A_399] : memref<1000000x64xf32, #tpu.memory_space<hbm>> -> memref<1x64xf32, #tpu.memory_space<hbm>>
    tpu.wait_dma2 semaphore(%arg8 : memref<!tpu.dma_semaphore, #tpu.memory_space<semaphore_mem>>) src(%dma_wait3A_400 : memref<1x64xf32, #tpu.memory_space<hbm>>) dst(%dma_wait3A_398 : memref<1x64xf32, #tpu.memory_space<vmem>>)
    %dma_wait3A_401 = arith.constant 2 : i32
    %dma_wait3A_402 = arith.constant 0 : i32
    %dma_wait3A_403 = tpu.memref_slice %arg6[%dma_wait3A_401, %dma_wait3A_402] : memref<16x64xf32, #tpu.memory_space<vmem>> -> memref<1x64xf32, #tpu.memory_space<vmem>>
    %dma_wait3A_404 = arith.constant 0 : i32
    %dma_wait3A_405 = tpu.memref_slice %arg2[%reduce_max3A_59, %dma_wait3A_404] : memref<1000000x64xf32, #tpu.memory_space<hbm>> -> memref<1x64xf32, #tpu.memory_space<hbm>>
    %dma_wait3A_406 = arith.constant 2 : i32
    %dma_wait3A_407 = arith.constant 0 : i32
    %dma_wait3A_408 = tpu.memref_slice %arg6[%dma_wait3A_406, %dma_wait3A_407] : memref<16x64xf32, #tpu.memory_space<vmem>> -> memref<1x64xf32, #tpu.memory_space<vmem>>
    %dma_wait3A_409 = arith.constant 0 : i32
    %dma_wait3A_410 = tpu.memref_slice %arg2[%reduce_max3A_59, %dma_wait3A_409] : memref<1000000x64xf32, #tpu.memory_space<hbm>> -> memref<1x64xf32, #tpu.memory_space<hbm>>
    tpu.wait_dma2 semaphore(%arg8 : memref<!tpu.dma_semaphore, #tpu.memory_space<semaphore_mem>>) src(%dma_wait3A_410 : memref<1x64xf32, #tpu.memory_space<hbm>>) dst(%dma_wait3A_408 : memref<1x64xf32, #tpu.memory_space<vmem>>)
    %dma_wait3A_411 = arith.constant 3 : i32
    %dma_wait3A_412 = arith.constant 0 : i32
    %dma_wait3A_413 = tpu.memref_slice %arg6[%dma_wait3A_411, %dma_wait3A_412] : memref<16x64xf32, #tpu.memory_space<vmem>> -> memref<1x64xf32, #tpu.memory_space<vmem>>
    %dma_wait3A_414 = arith.constant 0 : i32
    %dma_wait3A_415 = tpu.memref_slice %arg2[%reduce_max3A_83, %dma_wait3A_414] : memref<1000000x64xf32, #tpu.memory_space<hbm>> -> memref<1x64xf32, #tpu.memory_space<hbm>>
    %dma_wait3A_416 = arith.constant 3 : i32
    %dma_wait3A_417 = arith.constant 0 : i32
    %dma_wait3A_418 = tpu.memref_slice %arg6[%dma_wait3A_416, %dma_wait3A_417] : memref<16x64xf32, #tpu.memory_space<vmem>> -> memref<1x64xf32, #tpu.memory_space<vmem>>
    %dma_wait3A_419 = arith.constant 0 : i32
    %dma_wait3A_420 = tpu.memref_slice %arg2[%reduce_max3A_83, %dma_wait3A_419] : memref<1000000x64xf32, #tpu.memory_space<hbm>> -> memref<1x64xf32, #tpu.memory_space<hbm>>
    tpu.wait_dma2 semaphore(%arg8 : memref<!tpu.dma_semaphore, #tpu.memory_space<semaphore_mem>>) src(%dma_wait3A_420 : memref<1x64xf32, #tpu.memory_space<hbm>>) dst(%dma_wait3A_418 : memref<1x64xf32, #tpu.memory_space<vmem>>)
    %dma_wait3A_421 = arith.constant 4 : i32
    %dma_wait3A_422 = arith.constant 0 : i32
    %dma_wait3A_423 = tpu.memref_slice %arg6[%dma_wait3A_421, %dma_wait3A_422] : memref<16x64xf32, #tpu.memory_space<vmem>> -> memref<1x64xf32, #tpu.memory_space<vmem>>
    %dma_wait3A_424 = arith.constant 0 : i32
    %dma_wait3A_425 = tpu.memref_slice %arg2[%reduce_max3A_107, %dma_wait3A_424] : memref<1000000x64xf32, #tpu.memory_space<hbm>> -> memref<1x64xf32, #tpu.memory_space<hbm>>
    %dma_wait3A_426 = arith.constant 4 : i32
    %dma_wait3A_427 = arith.constant 0 : i32
    %dma_wait3A_428 = tpu.memref_slice %arg6[%dma_wait3A_426, %dma_wait3A_427] : memref<16x64xf32, #tpu.memory_space<vmem>> -> memref<1x64xf32, #tpu.memory_space<vmem>>
    %dma_wait3A_429 = arith.constant 0 : i32
    %dma_wait3A_430 = tpu.memref_slice %arg2[%reduce_max3A_107, %dma_wait3A_429] : memref<1000000x64xf32, #tpu.memory_space<hbm>> -> memref<1x64xf32, #tpu.memory_space<hbm>>
    tpu.wait_dma2 semaphore(%arg8 : memref<!tpu.dma_semaphore, #tpu.memory_space<semaphore_mem>>) src(%dma_wait3A_430 : memref<1x64xf32, #tpu.memory_space<hbm>>) dst(%dma_wait3A_428 : memref<1x64xf32, #tpu.memory_space<vmem>>)
    %dma_wait3A_431 = arith.constant 5 : i32
    %dma_wait3A_432 = arith.constant 0 : i32
    %dma_wait3A_433 = tpu.memref_slice %arg6[%dma_wait3A_431, %dma_wait3A_432] : memref<16x64xf32, #tpu.memory_space<vmem>> -> memref<1x64xf32, #tpu.memory_space<vmem>>
    %dma_wait3A_434 = arith.constant 0 : i32
    %dma_wait3A_435 = tpu.memref_slice %arg2[%reduce_max3A_131, %dma_wait3A_434] : memref<1000000x64xf32, #tpu.memory_space<hbm>> -> memref<1x64xf32, #tpu.memory_space<hbm>>
    %dma_wait3A_436 = arith.constant 5 : i32
    %dma_wait3A_437 = arith.constant 0 : i32
    %dma_wait3A_438 = tpu.memref_slice %arg6[%dma_wait3A_436, %dma_wait3A_437] : memref<16x64xf32, #tpu.memory_space<vmem>> -> memref<1x64xf32, #tpu.memory_space<vmem>>
    %dma_wait3A_439 = arith.constant 0 : i32
    %dma_wait3A_440 = tpu.memref_slice %arg2[%reduce_max3A_131, %dma_wait3A_439] : memref<1000000x64xf32, #tpu.memory_space<hbm>> -> memref<1x64xf32, #tpu.memory_space<hbm>>
    tpu.wait_dma2 semaphore(%arg8 : memref<!tpu.dma_semaphore, #tpu.memory_space<semaphore_mem>>) src(%dma_wait3A_440 : memref<1x64xf32, #tpu.memory_space<hbm>>) dst(%dma_wait3A_438 : memref<1x64xf32, #tpu.memory_space<vmem>>)
    %dma_wait3A_441 = arith.constant 6 : i32
    %dma_wait3A_442 = arith.constant 0 : i32
    %dma_wait3A_443 = tpu.memref_slice %arg6[%dma_wait3A_441, %dma_wait3A_442] : memref<16x64xf32, #tpu.memory_space<vmem>> -> memref<1x64xf32, #tpu.memory_space<vmem>>
    %dma_wait3A_444 = arith.constant 0 : i32
    %dma_wait3A_445 = tpu.memref_slice %arg2[%reduce_max3A_155, %dma_wait3A_444] : memref<1000000x64xf32, #tpu.memory_space<hbm>> -> memref<1x64xf32, #tpu.memory_space<hbm>>
    %dma_wait3A_446 = arith.constant 6 : i32
    %dma_wait3A_447 = arith.constant 0 : i32
    %dma_wait3A_448 = tpu.memref_slice %arg6[%dma_wait3A_446, %dma_wait3A_447] : memref<16x64xf32, #tpu.memory_space<vmem>> -> memref<1x64xf32, #tpu.memory_space<vmem>>
    %dma_wait3A_449 = arith.constant 0 : i32
    %dma_wait3A_450 = tpu.memref_slice %arg2[%reduce_max3A_155, %dma_wait3A_449] : memref<1000000x64xf32, #tpu.memory_space<hbm>> -> memref<1x64xf32, #tpu.memory_space<hbm>>
    tpu.wait_dma2 semaphore(%arg8 : memref<!tpu.dma_semaphore, #tpu.memory_space<semaphore_mem>>) src(%dma_wait3A_450 : memref<1x64xf32, #tpu.memory_space<hbm>>) dst(%dma_wait3A_448 : memref<1x64xf32, #tpu.memory_space<vmem>>)
    %dma_wait3A_451 = arith.constant 7 : i32
    %dma_wait3A_452 = arith.constant 0 : i32
    %dma_wait3A_453 = tpu.memref_slice %arg6[%dma_wait3A_451, %dma_wait3A_452] : memref<16x64xf32, #tpu.memory_space<vmem>> -> memref<1x64xf32, #tpu.memory_space<vmem>>
    %dma_wait3A_454 = arith.constant 0 : i32
    %dma_wait3A_455 = tpu.memref_slice %arg2[%reduce_max3A_179, %dma_wait3A_454] : memref<1000000x64xf32, #tpu.memory_space<hbm>> -> memref<1x64xf32, #tpu.memory_space<hbm>>
    %dma_wait3A_456 = arith.constant 7 : i32
    %dma_wait3A_457 = arith.constant 0 : i32
    %dma_wait3A_458 = tpu.memref_slice %arg6[%dma_wait3A_456, %dma_wait3A_457] : memref<16x64xf32, #tpu.memory_space<vmem>> -> memref<1x64xf32, #tpu.memory_space<vmem>>
    %dma_wait3A_459 = arith.constant 0 : i32
    %dma_wait3A_460 = tpu.memref_slice %arg2[%reduce_max3A_179, %dma_wait3A_459] : memref<1000000x64xf32, #tpu.memory_space<hbm>> -> memref<1x64xf32, #tpu.memory_space<hbm>>
    tpu.wait_dma2 semaphore(%arg8 : memref<!tpu.dma_semaphore, #tpu.memory_space<semaphore_mem>>) src(%dma_wait3A_460 : memref<1x64xf32, #tpu.memory_space<hbm>>) dst(%dma_wait3A_458 : memref<1x64xf32, #tpu.memory_space<vmem>>)
    %dma_wait3A_461 = arith.constant 8 : i32
    %dma_wait3A_462 = arith.constant 0 : i32
    %dma_wait3A_463 = tpu.memref_slice %arg6[%dma_wait3A_461, %dma_wait3A_462] : memref<16x64xf32, #tpu.memory_space<vmem>> -> memref<1x64xf32, #tpu.memory_space<vmem>>
    %dma_wait3A_464 = arith.constant 0 : i32
    %dma_wait3A_465 = tpu.memref_slice %arg2[%reduce_max3A_203, %dma_wait3A_464] : memref<1000000x64xf32, #tpu.memory_space<hbm>> -> memref<1x64xf32, #tpu.memory_space<hbm>>
    %dma_wait3A_466 = arith.constant 8 : i32
    %dma_wait3A_467 = arith.constant 0 : i32
    %dma_wait3A_468 = tpu.memref_slice %arg6[%dma_wait3A_466, %dma_wait3A_467] : memref<16x64xf32, #tpu.memory_space<vmem>> -> memref<1x64xf32, #tpu.memory_space<vmem>>
    %dma_wait3A_469 = arith.constant 0 : i32
    %dma_wait3A_470 = tpu.memref_slice %arg2[%reduce_max3A_203, %dma_wait3A_469] : memref<1000000x64xf32, #tpu.memory_space<hbm>> -> memref<1x64xf32, #tpu.memory_space<hbm>>
    tpu.wait_dma2 semaphore(%arg8 : memref<!tpu.dma_semaphore, #tpu.memory_space<semaphore_mem>>) src(%dma_wait3A_470 : memref<1x64xf32, #tpu.memory_space<hbm>>) dst(%dma_wait3A_468 : memref<1x64xf32, #tpu.memory_space<vmem>>)
    %dma_wait3A_471 = arith.constant 9 : i32
    %dma_wait3A_472 = arith.constant 0 : i32
    %dma_wait3A_473 = tpu.memref_slice %arg6[%dma_wait3A_471, %dma_wait3A_472] : memref<16x64xf32, #tpu.memory_space<vmem>> -> memref<1x64xf32, #tpu.memory_space<vmem>>
    %dma_wait3A_474 = arith.constant 0 : i32
    %dma_wait3A_475 = tpu.memref_slice %arg2[%reduce_max3A_227, %dma_wait3A_474] : memref<1000000x64xf32, #tpu.memory_space<hbm>> -> memref<1x64xf32, #tpu.memory_space<hbm>>
    %dma_wait3A_476 = arith.constant 9 : i32
    %dma_wait3A_477 = arith.constant 0 : i32
    %dma_wait3A_478 = tpu.memref_slice %arg6[%dma_wait3A_476, %dma_wait3A_477] : memref<16x64xf32, #tpu.memory_space<vmem>> -> memref<1x64xf32, #tpu.memory_space<vmem>>
    %dma_wait3A_479 = arith.constant 0 : i32
    %dma_wait3A_480 = tpu.memref_slice %arg2[%reduce_max3A_227, %dma_wait3A_479] : memref<1000000x64xf32, #tpu.memory_space<hbm>> -> memref<1x64xf32, #tpu.memory_space<hbm>>
    tpu.wait_dma2 semaphore(%arg8 : memref<!tpu.dma_semaphore, #tpu.memory_space<semaphore_mem>>) src(%dma_wait3A_480 : memref<1x64xf32, #tpu.memory_space<hbm>>) dst(%dma_wait3A_478 : memref<1x64xf32, #tpu.memory_space<vmem>>)
    %dma_wait3A_481 = arith.constant 10 : i32
    %dma_wait3A_482 = arith.constant 0 : i32
    %dma_wait3A_483 = tpu.memref_slice %arg6[%dma_wait3A_481, %dma_wait3A_482] : memref<16x64xf32, #tpu.memory_space<vmem>> -> memref<1x64xf32, #tpu.memory_space<vmem>>
    %dma_wait3A_484 = arith.constant 0 : i32
    %dma_wait3A_485 = tpu.memref_slice %arg2[%reduce_max3A_251, %dma_wait3A_484] : memref<1000000x64xf32, #tpu.memory_space<hbm>> -> memref<1x64xf32, #tpu.memory_space<hbm>>
    %dma_wait3A_486 = arith.constant 10 : i32
    %dma_wait3A_487 = arith.constant 0 : i32
    %dma_wait3A_488 = tpu.memref_slice %arg6[%dma_wait3A_486, %dma_wait3A_487] : memref<16x64xf32, #tpu.memory_space<vmem>> -> memref<1x64xf32, #tpu.memory_space<vmem>>
    %dma_wait3A_489 = arith.constant 0 : i32
    %dma_wait3A_490 = tpu.memref_slice %arg2[%reduce_max3A_251, %dma_wait3A_489] : memref<1000000x64xf32, #tpu.memory_space<hbm>> -> memref<1x64xf32, #tpu.memory_space<hbm>>
    tpu.wait_dma2 semaphore(%arg8 : memref<!tpu.dma_semaphore, #tpu.memory_space<semaphore_mem>>) src(%dma_wait3A_490 : memref<1x64xf32, #tpu.memory_space<hbm>>) dst(%dma_wait3A_488 : memref<1x64xf32, #tpu.memory_space<vmem>>)
    %dma_wait3A_491 = arith.constant 11 : i32
    %dma_wait3A_492 = arith.constant 0 : i32
    %dma_wait3A_493 = tpu.memref_slice %arg6[%dma_wait3A_491, %dma_wait3A_492] : memref<16x64xf32, #tpu.memory_space<vmem>> -> memref<1x64xf32, #tpu.memory_space<vmem>>
    %dma_wait3A_494 = arith.constant 0 : i32
    %dma_wait3A_495 = tpu.memref_slice %arg2[%reduce_max3A_275, %dma_wait3A_494] : memref<1000000x64xf32, #tpu.memory_space<hbm>> -> memref<1x64xf32, #tpu.memory_space<hbm>>
    %dma_wait3A_496 = arith.constant 11 : i32
    %dma_wait3A_497 = arith.constant 0 : i32
    %dma_wait3A_498 = tpu.memref_slice %arg6[%dma_wait3A_496, %dma_wait3A_497] : memref<16x64xf32, #tpu.memory_space<vmem>> -> memref<1x64xf32, #tpu.memory_space<vmem>>
    %dma_wait3A_499 = arith.constant 0 : i32
    %dma_wait3A_500 = tpu.memref_slice %arg2[%reduce_max3A_275, %dma_wait3A_499] : memref<1000000x64xf32, #tpu.memory_space<hbm>> -> memref<1x64xf32, #tpu.memory_space<hbm>>
    tpu.wait_dma2 semaphore(%arg8 : memref<!tpu.dma_semaphore, #tpu.memory_space<semaphore_mem>>) src(%dma_wait3A_500 : memref<1x64xf32, #tpu.memory_space<hbm>>) dst(%dma_wait3A_498 : memref<1x64xf32, #tpu.memory_space<vmem>>)
    %dma_wait3A_501 = arith.constant 12 : i32
    %dma_wait3A_502 = arith.constant 0 : i32
    %dma_wait3A_503 = tpu.memref_slice %arg6[%dma_wait3A_501, %dma_wait3A_502] : memref<16x64xf32, #tpu.memory_space<vmem>> -> memref<1x64xf32, #tpu.memory_space<vmem>>
    %dma_wait3A_504 = arith.constant 0 : i32
    %dma_wait3A_505 = tpu.memref_slice %arg2[%reduce_max3A_299, %dma_wait3A_504] : memref<1000000x64xf32, #tpu.memory_space<hbm>> -> memref<1x64xf32, #tpu.memory_space<hbm>>
    %dma_wait3A_506 = arith.constant 12 : i32
    %dma_wait3A_507 = arith.constant 0 : i32
    %dma_wait3A_508 = tpu.memref_slice %arg6[%dma_wait3A_506, %dma_wait3A_507] : memref<16x64xf32, #tpu.memory_space<vmem>> -> memref<1x64xf32, #tpu.memory_space<vmem>>
    %dma_wait3A_509 = arith.constant 0 : i32
    %dma_wait3A_510 = tpu.memref_slice %arg2[%reduce_max3A_299, %dma_wait3A_509] : memref<1000000x64xf32, #tpu.memory_space<hbm>> -> memref<1x64xf32, #tpu.memory_space<hbm>>
    tpu.wait_dma2 semaphore(%arg8 : memref<!tpu.dma_semaphore, #tpu.memory_space<semaphore_mem>>) src(%dma_wait3A_510 : memref<1x64xf32, #tpu.memory_space<hbm>>) dst(%dma_wait3A_508 : memref<1x64xf32, #tpu.memory_space<vmem>>)
    %dma_wait3A_511 = arith.constant 13 : i32
    %dma_wait3A_512 = arith.constant 0 : i32
    %dma_wait3A_513 = tpu.memref_slice %arg6[%dma_wait3A_511, %dma_wait3A_512] : memref<16x64xf32, #tpu.memory_space<vmem>> -> memref<1x64xf32, #tpu.memory_space<vmem>>
    %dma_wait3A_514 = arith.constant 0 : i32
    %dma_wait3A_515 = tpu.memref_slice %arg2[%reduce_max3A_323, %dma_wait3A_514] : memref<1000000x64xf32, #tpu.memory_space<hbm>> -> memref<1x64xf32, #tpu.memory_space<hbm>>
    %dma_wait3A_516 = arith.constant 13 : i32
    %dma_wait3A_517 = arith.constant 0 : i32
    %dma_wait3A_518 = tpu.memref_slice %arg6[%dma_wait3A_516, %dma_wait3A_517] : memref<16x64xf32, #tpu.memory_space<vmem>> -> memref<1x64xf32, #tpu.memory_space<vmem>>
    %dma_wait3A_519 = arith.constant 0 : i32
    %dma_wait3A_520 = tpu.memref_slice %arg2[%reduce_max3A_323, %dma_wait3A_519] : memref<1000000x64xf32, #tpu.memory_space<hbm>> -> memref<1x64xf32, #tpu.memory_space<hbm>>
    tpu.wait_dma2 semaphore(%arg8 : memref<!tpu.dma_semaphore, #tpu.memory_space<semaphore_mem>>) src(%dma_wait3A_520 : memref<1x64xf32, #tpu.memory_space<hbm>>) dst(%dma_wait3A_518 : memref<1x64xf32, #tpu.memory_space<vmem>>)
    %dma_wait3A_521 = arith.constant 14 : i32
    %dma_wait3A_522 = arith.constant 0 : i32
    %dma_wait3A_523 = tpu.memref_slice %arg6[%dma_wait3A_521, %dma_wait3A_522] : memref<16x64xf32, #tpu.memory_space<vmem>> -> memref<1x64xf32, #tpu.memory_space<vmem>>
    %dma_wait3A_524 = arith.constant 0 : i32
    %dma_wait3A_525 = tpu.memref_slice %arg2[%reduce_max3A_347, %dma_wait3A_524] : memref<1000000x64xf32, #tpu.memory_space<hbm>> -> memref<1x64xf32, #tpu.memory_space<hbm>>
    %dma_wait3A_526 = arith.constant 14 : i32
    %dma_wait3A_527 = arith.constant 0 : i32
    %dma_wait3A_528 = tpu.memref_slice %arg6[%dma_wait3A_526, %dma_wait3A_527] : memref<16x64xf32, #tpu.memory_space<vmem>> -> memref<1x64xf32, #tpu.memory_space<vmem>>
    %dma_wait3A_529 = arith.constant 0 : i32
    %dma_wait3A_530 = tpu.memref_slice %arg2[%reduce_max3A_347, %dma_wait3A_529] : memref<1000000x64xf32, #tpu.memory_space<hbm>> -> memref<1x64xf32, #tpu.memory_space<hbm>>
    tpu.wait_dma2 semaphore(%arg8 : memref<!tpu.dma_semaphore, #tpu.memory_space<semaphore_mem>>) src(%dma_wait3A_530 : memref<1x64xf32, #tpu.memory_space<hbm>>) dst(%dma_wait3A_528 : memref<1x64xf32, #tpu.memory_space<vmem>>)
    %dma_wait3A_531 = arith.constant 15 : i32
    %dma_wait3A_532 = arith.constant 0 : i32
    %dma_wait3A_533 = tpu.memref_slice %arg6[%dma_wait3A_531, %dma_wait3A_532] : memref<16x64xf32, #tpu.memory_space<vmem>> -> memref<1x64xf32, #tpu.memory_space<vmem>>
    %dma_wait3A_534 = arith.constant 0 : i32
    %dma_wait3A_535 = tpu.memref_slice %arg2[%reduce_max3A_371, %dma_wait3A_534] : memref<1000000x64xf32, #tpu.memory_space<hbm>> -> memref<1x64xf32, #tpu.memory_space<hbm>>
    %dma_wait3A_536 = arith.constant 15 : i32
    %dma_wait3A_537 = arith.constant 0 : i32
    %dma_wait3A_538 = tpu.memref_slice %arg6[%dma_wait3A_536, %dma_wait3A_537] : memref<16x64xf32, #tpu.memory_space<vmem>> -> memref<1x64xf32, #tpu.memory_space<vmem>>
    %dma_wait3A_539 = arith.constant 0 : i32
    %dma_wait3A_540 = tpu.memref_slice %arg2[%reduce_max3A_371, %dma_wait3A_539] : memref<1000000x64xf32, #tpu.memory_space<hbm>> -> memref<1x64xf32, #tpu.memory_space<hbm>>
    tpu.wait_dma2 semaphore(%arg8 : memref<!tpu.dma_semaphore, #tpu.memory_space<semaphore_mem>>) src(%dma_wait3A_540 : memref<1x64xf32, #tpu.memory_space<hbm>>) dst(%dma_wait3A_538 : memref<1x64xf32, #tpu.memory_space<vmem>>)
    %broadcast_in_dim3A_541 = arith.constant 0.000000e+00 : f32
    %broadcast_in_dim3A_542 = vector.broadcast %broadcast_in_dim3A_541 : f32 to vector<16xf32>
    %broadcast_in_dim3A_543 = arith.constant 0.000000e+00 : f32
    %broadcast_in_dim3A_544 = vector.broadcast %broadcast_in_dim3A_543 : f32 to vector<16xf32>
    %broadcast_in_dim3A_545 = arith.constant 0.000000e+00 : f32
    %broadcast_in_dim3A_546 = vector.broadcast %broadcast_in_dim3A_545 : f32 to vector<16xf32>
    %broadcast_in_dim3A_547 = arith.constant 0.000000e+00 : f32
    %broadcast_in_dim3A_548 = vector.broadcast %broadcast_in_dim3A_547 : f32 to vector<16xf32>
    %add3A_549 = arith.constant 0 : i32
    %add3A_550 = arith.addi %mul3A_2, %add3A_549 : i32
    %lt3A = arith.constant 200 : i32
    %lt3A_551 = arith.cmpi slt, %add3A_550, %lt3A : i32
    %jit3A_552 = arith.constant 1.000000e+00 : f32
    %jit3A_553 = arith.constant 0.000000e+00 : f32
    %select_n3A_554 = arith.select %lt3A_551, %jit3A_552, %jit3A_553 : f32
    %get3A_555 = arith.constant 0 : i32
    %get3A_556 = arith.index_cast %get3A_555 : i32 to index
    %get3A_557 = arith.constant 0 : index
    %get3A_558 = tpu.vector_load %arg6[%get3A_556, %get3A_557] {strides = array<i32>} : memref<16x64xf32, #tpu.memory_space<vmem>>, vector<16xf32>,
    %mul3A_559 = vector.broadcast %select_n3A_554 : f32 to vector<16xf32>
    %mul3A_560 = arith.mulf %get3A_558, %mul3A_559 : vector<16xf32>
    %add3A_561 = arith.addf %broadcast_in_dim3A_542, %mul3A_560 : vector<16xf32>
    %get3A_562 = arith.constant 0 : i32
    %get3A_563 = arith.index_cast %get3A_562 : i32 to index
    %get3A_564 = arith.constant 16 : index
    %get3A_565 = tpu.vector_load %arg6[%get3A_563, %get3A_564] {strides = array<i32>} : memref<16x64xf32, #tpu.memory_space<vmem>>, vector<16xf32>,
    %mul3A_566 = vector.broadcast %select_n3A_554 : f32 to vector<16xf32>
    %mul3A_567 = arith.mulf %get3A_565, %mul3A_566 : vector<16xf32>
    %add3A_568 = arith.addf %broadcast_in_dim3A_544, %mul3A_567 : vector<16xf32>
    %get3A_569 = arith.constant 0 : i32
    %get3A_570 = arith.index_cast %get3A_569 : i32 to index
    %get3A_571 = arith.constant 32 : index
    %get3A_572 = tpu.vector_load %arg6[%get3A_570, %get3A_571] {strides = array<i32>} : memref<16x64xf32, #tpu.memory_space<vmem>>, vector<16xf32>,
    %mul3A_573 = vector.broadcast %select_n3A_554 : f32 to vector<16xf32>
    %mul3A_574 = arith.mulf %get3A_572, %mul3A_573 : vector<16xf32>
    %add3A_575 = arith.addf %broadcast_in_dim3A_546, %mul3A_574 : vector<16xf32>
    %get3A_576 = arith.constant 0 : i32
    %get3A_577 = arith.index_cast %get3A_576 : i32 to index
    %get3A_578 = arith.constant 48 : index
    %get3A_579 = tpu.vector_load %arg6[%get3A_577, %get3A_578] {strides = array<i32>} : memref<16x64xf32, #tpu.memory_space<vmem>>, vector<16xf32>,
    %mul3A_580 = vector.broadcast %select_n3A_554 : f32 to vector<16xf32>
    %mul3A_581 = arith.mulf %get3A_579, %mul3A_580 : vector<16xf32>
    %add3A_582 = arith.addf %broadcast_in_dim3A_548, %mul3A_581 : vector<16xf32>
    %add3A_583 = arith.constant 1 : i32
    %add3A_584 = arith.addi %mul3A_2, %add3A_583 : i32
    %lt3A_585 = arith.constant 200 : i32
    %lt3A_586 = arith.cmpi slt, %add3A_584, %lt3A_585 : i32
    %jit3A_587 = arith.constant 1.000000e+00 : f32
    %jit3A_588 = arith.constant 0.000000e+00 : f32
    %select_n3A_589 = arith.select %lt3A_586, %jit3A_587, %jit3A_588 : f32
    %get3A_590 = arith.constant 1 : i32
    %get3A_591 = arith.index_cast %get3A_590 : i32 to index
    %get3A_592 = arith.constant 0 : index
    %get3A_593 = tpu.vector_load %arg6[%get3A_591, %get3A_592] {strides = array<i32>} : memref<16x64xf32, #tpu.memory_space<vmem>>, vector<16xf32>,
    %mul3A_594 = vector.broadcast %select_n3A_589 : f32 to vector<16xf32>
    %mul3A_595 = arith.mulf %get3A_593, %mul3A_594 : vector<16xf32>
    %add3A_596 = arith.addf %add3A_561, %mul3A_595 : vector<16xf32>
    %get3A_597 = arith.constant 1 : i32
    %get3A_598 = arith.index_cast %get3A_597 : i32 to index
    %get3A_599 = arith.constant 16 : index
    %get3A_600 = tpu.vector_load %arg6[%get3A_598, %get3A_599] {strides = array<i32>} : memref<16x64xf32, #tpu.memory_space<vmem>>, vector<16xf32>,
    %mul3A_601 = vector.broadcast %select_n3A_589 : f32 to vector<16xf32>
    %mul3A_602 = arith.mulf %get3A_600, %mul3A_601 : vector<16xf32>
    %add3A_603 = arith.addf %add3A_568, %mul3A_602 : vector<16xf32>
    %get3A_604 = arith.constant 1 : i32
    %get3A_605 = arith.index_cast %get3A_604 : i32 to index
    %get3A_606 = arith.constant 32 : index
    %get3A_607 = tpu.vector_load %arg6[%get3A_605, %get3A_606] {strides = array<i32>} : memref<16x64xf32, #tpu.memory_space<vmem>>, vector<16xf32>,
    %mul3A_608 = vector.broadcast %select_n3A_589 : f32 to vector<16xf32>
    %mul3A_609 = arith.mulf %get3A_607, %mul3A_608 : vector<16xf32>
    %add3A_610 = arith.addf %add3A_575, %mul3A_609 : vector<16xf32>
    %get3A_611 = arith.constant 1 : i32
    %get3A_612 = arith.index_cast %get3A_611 : i32 to index
    %get3A_613 = arith.constant 48 : index
    %get3A_614 = tpu.vector_load %arg6[%get3A_612, %get3A_613] {strides = array<i32>} : memref<16x64xf32, #tpu.memory_space<vmem>>, vector<16xf32>,
    %mul3A_615 = vector.broadcast %select_n3A_589 : f32 to vector<16xf32>
    %mul3A_616 = arith.mulf %get3A_614, %mul3A_615 : vector<16xf32>
    %add3A_617 = arith.addf %add3A_582, %mul3A_616 : vector<16xf32>
    %add3A_618 = arith.constant 2 : i32
    %add3A_619 = arith.addi %mul3A_2, %add3A_618 : i32
    %lt3A_620 = arith.constant 200 : i32
    %lt3A_621 = arith.cmpi slt, %add3A_619, %lt3A_620 : i32
    %jit3A_622 = arith.constant 1.000000e+00 : f32
    %jit3A_623 = arith.constant 0.000000e+00 : f32
    %select_n3A_624 = arith.select %lt3A_621, %jit3A_622, %jit3A_623 : f32
    %get3A_625 = arith.constant 2 : i32
    %get3A_626 = arith.index_cast %get3A_625 : i32 to index
    %get3A_627 = arith.constant 0 : index
    %get3A_628 = tpu.vector_load %arg6[%get3A_626, %get3A_627] {strides = array<i32>} : memref<16x64xf32, #tpu.memory_space<vmem>>, vector<16xf32>,
    %mul3A_629 = vector.broadcast %select_n3A_624 : f32 to vector<16xf32>
    %mul3A_630 = arith.mulf %get3A_628, %mul3A_629 : vector<16xf32>
    %add3A_631 = arith.addf %add3A_596, %mul3A_630 : vector<16xf32>
    %get3A_632 = arith.constant 2 : i32
    %get3A_633 = arith.index_cast %get3A_632 : i32 to index
    %get3A_634 = arith.constant 16 : index
    %get3A_635 = tpu.vector_load %arg6[%get3A_633, %get3A_634] {strides = array<i32>} : memref<16x64xf32, #tpu.memory_space<vmem>>, vector<16xf32>,
    %mul3A_636 = vector.broadcast %select_n3A_624 : f32 to vector<16xf32>
    %mul3A_637 = arith.mulf %get3A_635, %mul3A_636 : vector<16xf32>
    %add3A_638 = arith.addf %add3A_603, %mul3A_637 : vector<16xf32>
    %get3A_639 = arith.constant 2 : i32
    %get3A_640 = arith.index_cast %get3A_639 : i32 to index
    %get3A_641 = arith.constant 32 : index
    %get3A_642 = tpu.vector_load %arg6[%get3A_640, %get3A_641] {strides = array<i32>} : memref<16x64xf32, #tpu.memory_space<vmem>>, vector<16xf32>,
    %mul3A_643 = vector.broadcast %select_n3A_624 : f32 to vector<16xf32>
    %mul3A_644 = arith.mulf %get3A_642, %mul3A_643 : vector<16xf32>
    %add3A_645 = arith.addf %add3A_610, %mul3A_644 : vector<16xf32>
    %get3A_646 = arith.constant 2 : i32
    %get3A_647 = arith.index_cast %get3A_646 : i32 to index
    %get3A_648 = arith.constant 48 : index
    %get3A_649 = tpu.vector_load %arg6[%get3A_647, %get3A_648] {strides = array<i32>} : memref<16x64xf32, #tpu.memory_space<vmem>>, vector<16xf32>,
    %mul3A_650 = vector.broadcast %select_n3A_624 : f32 to vector<16xf32>
    %mul3A_651 = arith.mulf %get3A_649, %mul3A_650 : vector<16xf32>
    %add3A_652 = arith.addf %add3A_617, %mul3A_651 : vector<16xf32>
    %add3A_653 = arith.constant 3 : i32
    %add3A_654 = arith.addi %mul3A_2, %add3A_653 : i32
    %lt3A_655 = arith.constant 200 : i32
    %lt3A_656 = arith.cmpi slt, %add3A_654, %lt3A_655 : i32
    %jit3A_657 = arith.constant 1.000000e+00 : f32
    %jit3A_658 = arith.constant 0.000000e+00 : f32
    %select_n3A_659 = arith.select %lt3A_656, %jit3A_657, %jit3A_658 : f32
    %get3A_660 = arith.constant 3 : i32
    %get3A_661 = arith.index_cast %get3A_660 : i32 to index
    %get3A_662 = arith.constant 0 : index
    %get3A_663 = tpu.vector_load %arg6[%get3A_661, %get3A_662] {strides = array<i32>} : memref<16x64xf32, #tpu.memory_space<vmem>>, vector<16xf32>,
    %mul3A_664 = vector.broadcast %select_n3A_659 : f32 to vector<16xf32>
    %mul3A_665 = arith.mulf %get3A_663, %mul3A_664 : vector<16xf32>
    %add3A_666 = arith.addf %add3A_631, %mul3A_665 : vector<16xf32>
    %get3A_667 = arith.constant 3 : i32
    %get3A_668 = arith.index_cast %get3A_667 : i32 to index
    %get3A_669 = arith.constant 16 : index
    %get3A_670 = tpu.vector_load %arg6[%get3A_668, %get3A_669] {strides = array<i32>} : memref<16x64xf32, #tpu.memory_space<vmem>>, vector<16xf32>,
    %mul3A_671 = vector.broadcast %select_n3A_659 : f32 to vector<16xf32>
    %mul3A_672 = arith.mulf %get3A_670, %mul3A_671 : vector<16xf32>
    %add3A_673 = arith.addf %add3A_638, %mul3A_672 : vector<16xf32>
    %get3A_674 = arith.constant 3 : i32
    %get3A_675 = arith.index_cast %get3A_674 : i32 to index
    %get3A_676 = arith.constant 32 : index
    %get3A_677 = tpu.vector_load %arg6[%get3A_675, %get3A_676] {strides = array<i32>} : memref<16x64xf32, #tpu.memory_space<vmem>>, vector<16xf32>,
    %mul3A_678 = vector.broadcast %select_n3A_659 : f32 to vector<16xf32>
    %mul3A_679 = arith.mulf %get3A_677, %mul3A_678 : vector<16xf32>
    %add3A_680 = arith.addf %add3A_645, %mul3A_679 : vector<16xf32>
    %get3A_681 = arith.constant 3 : i32
    %get3A_682 = arith.index_cast %get3A_681 : i32 to index
    %get3A_683 = arith.constant 48 : index
    %get3A_684 = tpu.vector_load %arg6[%get3A_682, %get3A_683] {strides = array<i32>} : memref<16x64xf32, #tpu.memory_space<vmem>>, vector<16xf32>,
    %mul3A_685 = vector.broadcast %select_n3A_659 : f32 to vector<16xf32>
    %mul3A_686 = arith.mulf %get3A_684, %mul3A_685 : vector<16xf32>
    %add3A_687 = arith.addf %add3A_652, %mul3A_686 : vector<16xf32>
    %add3A_688 = arith.constant 4 : i32
    %add3A_689 = arith.addi %mul3A_2, %add3A_688 : i32
    %lt3A_690 = arith.constant 200 : i32
    %lt3A_691 = arith.cmpi slt, %add3A_689, %lt3A_690 : i32
    %jit3A_692 = arith.constant 1.000000e+00 : f32
    %jit3A_693 = arith.constant 0.000000e+00 : f32
    %select_n3A_694 = arith.select %lt3A_691, %jit3A_692, %jit3A_693 : f32
    %get3A_695 = arith.constant 4 : i32
    %get3A_696 = arith.index_cast %get3A_695 : i32 to index
    %get3A_697 = arith.constant 0 : index
    %get3A_698 = tpu.vector_load %arg6[%get3A_696, %get3A_697] {strides = array<i32>} : memref<16x64xf32, #tpu.memory_space<vmem>>, vector<16xf32>,
    %mul3A_699 = vector.broadcast %select_n3A_694 : f32 to vector<16xf32>
    %mul3A_700 = arith.mulf %get3A_698, %mul3A_699 : vector<16xf32>
    %add3A_701 = arith.addf %add3A_666, %mul3A_700 : vector<16xf32>
    %get3A_702 = arith.constant 4 : i32
    %get3A_703 = arith.index_cast %get3A_702 : i32 to index
    %get3A_704 = arith.constant 16 : index
    %get3A_705 = tpu.vector_load %arg6[%get3A_703, %get3A_704] {strides = array<i32>} : memref<16x64xf32, #tpu.memory_space<vmem>>, vector<16xf32>,
    %mul3A_706 = vector.broadcast %select_n3A_694 : f32 to vector<16xf32>
    %mul3A_707 = arith.mulf %get3A_705, %mul3A_706 : vector<16xf32>
    %add3A_708 = arith.addf %add3A_673, %mul3A_707 : vector<16xf32>
    %get3A_709 = arith.constant 4 : i32
    %get3A_710 = arith.index_cast %get3A_709 : i32 to index
    %get3A_711 = arith.constant 32 : index
    %get3A_712 = tpu.vector_load %arg6[%get3A_710, %get3A_711] {strides = array<i32>} : memref<16x64xf32, #tpu.memory_space<vmem>>, vector<16xf32>,
    %mul3A_713 = vector.broadcast %select_n3A_694 : f32 to vector<16xf32>
    %mul3A_714 = arith.mulf %get3A_712, %mul3A_713 : vector<16xf32>
    %add3A_715 = arith.addf %add3A_680, %mul3A_714 : vector<16xf32>
    %get3A_716 = arith.constant 4 : i32
    %get3A_717 = arith.index_cast %get3A_716 : i32 to index
    %get3A_718 = arith.constant 48 : index
    %get3A_719 = tpu.vector_load %arg6[%get3A_717, %get3A_718] {strides = array<i32>} : memref<16x64xf32, #tpu.memory_space<vmem>>, vector<16xf32>,
    %mul3A_720 = vector.broadcast %select_n3A_694 : f32 to vector<16xf32>
    %mul3A_721 = arith.mulf %get3A_719, %mul3A_720 : vector<16xf32>
    %add3A_722 = arith.addf %add3A_687, %mul3A_721 : vector<16xf32>
    %add3A_723 = arith.constant 5 : i32
    %add3A_724 = arith.addi %mul3A_2, %add3A_723 : i32
    %lt3A_725 = arith.constant 200 : i32
    %lt3A_726 = arith.cmpi slt, %add3A_724, %lt3A_725 : i32
    %jit3A_727 = arith.constant 1.000000e+00 : f32
    %jit3A_728 = arith.constant 0.000000e+00 : f32
    %select_n3A_729 = arith.select %lt3A_726, %jit3A_727, %jit3A_728 : f32
    %get3A_730 = arith.constant 5 : i32
    %get3A_731 = arith.index_cast %get3A_730 : i32 to index
    %get3A_732 = arith.constant 0 : index
    %get3A_733 = tpu.vector_load %arg6[%get3A_731, %get3A_732] {strides = array<i32>} : memref<16x64xf32, #tpu.memory_space<vmem>>, vector<16xf32>,
    %mul3A_734 = vector.broadcast %select_n3A_729 : f32 to vector<16xf32>
    %mul3A_735 = arith.mulf %get3A_733, %mul3A_734 : vector<16xf32>
    %add3A_736 = arith.addf %add3A_701, %mul3A_735 : vector<16xf32>
    %get3A_737 = arith.constant 5 : i32
    %get3A_738 = arith.index_cast %get3A_737 : i32 to index
    %get3A_739 = arith.constant 16 : index
    %get3A_740 = tpu.vector_load %arg6[%get3A_738, %get3A_739] {strides = array<i32>} : memref<16x64xf32, #tpu.memory_space<vmem>>, vector<16xf32>,
    %mul3A_741 = vector.broadcast %select_n3A_729 : f32 to vector<16xf32>
    %mul3A_742 = arith.mulf %get3A_740, %mul3A_741 : vector<16xf32>
    %add3A_743 = arith.addf %add3A_708, %mul3A_742 : vector<16xf32>
    %get3A_744 = arith.constant 5 : i32
    %get3A_745 = arith.index_cast %get3A_744 : i32 to index
    %get3A_746 = arith.constant 32 : index
    %get3A_747 = tpu.vector_load %arg6[%get3A_745, %get3A_746] {strides = array<i32>} : memref<16x64xf32, #tpu.memory_space<vmem>>, vector<16xf32>,
    %mul3A_748 = vector.broadcast %select_n3A_729 : f32 to vector<16xf32>
    %mul3A_749 = arith.mulf %get3A_747, %mul3A_748 : vector<16xf32>
    %add3A_750 = arith.addf %add3A_715, %mul3A_749 : vector<16xf32>
    %get3A_751 = arith.constant 5 : i32
    %get3A_752 = arith.index_cast %get3A_751 : i32 to index
    %get3A_753 = arith.constant 48 : index
    %get3A_754 = tpu.vector_load %arg6[%get3A_752, %get3A_753] {strides = array<i32>} : memref<16x64xf32, #tpu.memory_space<vmem>>, vector<16xf32>,
    %mul3A_755 = vector.broadcast %select_n3A_729 : f32 to vector<16xf32>
    %mul3A_756 = arith.mulf %get3A_754, %mul3A_755 : vector<16xf32>
    %add3A_757 = arith.addf %add3A_722, %mul3A_756 : vector<16xf32>
    %add3A_758 = arith.constant 6 : i32
    %add3A_759 = arith.addi %mul3A_2, %add3A_758 : i32
    %lt3A_760 = arith.constant 200 : i32
    %lt3A_761 = arith.cmpi slt, %add3A_759, %lt3A_760 : i32
    %jit3A_762 = arith.constant 1.000000e+00 : f32
    %jit3A_763 = arith.constant 0.000000e+00 : f32
    %select_n3A_764 = arith.select %lt3A_761, %jit3A_762, %jit3A_763 : f32
    %get3A_765 = arith.constant 6 : i32
    %get3A_766 = arith.index_cast %get3A_765 : i32 to index
    %get3A_767 = arith.constant 0 : index
    %get3A_768 = tpu.vector_load %arg6[%get3A_766, %get3A_767] {strides = array<i32>} : memref<16x64xf32, #tpu.memory_space<vmem>>, vector<16xf32>,
    %mul3A_769 = vector.broadcast %select_n3A_764 : f32 to vector<16xf32>
    %mul3A_770 = arith.mulf %get3A_768, %mul3A_769 : vector<16xf32>
    %add3A_771 = arith.addf %add3A_736, %mul3A_770 : vector<16xf32>
    %get3A_772 = arith.constant 6 : i32
    %get3A_773 = arith.index_cast %get3A_772 : i32 to index
    %get3A_774 = arith.constant 16 : index
    %get3A_775 = tpu.vector_load %arg6[%get3A_773, %get3A_774] {strides = array<i32>} : memref<16x64xf32, #tpu.memory_space<vmem>>, vector<16xf32>,
    %mul3A_776 = vector.broadcast %select_n3A_764 : f32 to vector<16xf32>
    %mul3A_777 = arith.mulf %get3A_775, %mul3A_776 : vector<16xf32>
    %add3A_778 = arith.addf %add3A_743, %mul3A_777 : vector<16xf32>
    %get3A_779 = arith.constant 6 : i32
    %get3A_780 = arith.index_cast %get3A_779 : i32 to index
    %get3A_781 = arith.constant 32 : index
    %get3A_782 = tpu.vector_load %arg6[%get3A_780, %get3A_781] {strides = array<i32>} : memref<16x64xf32, #tpu.memory_space<vmem>>, vector<16xf32>,
    %mul3A_783 = vector.broadcast %select_n3A_764 : f32 to vector<16xf32>
    %mul3A_784 = arith.mulf %get3A_782, %mul3A_783 : vector<16xf32>
    %add3A_785 = arith.addf %add3A_750, %mul3A_784 : vector<16xf32>
    %get3A_786 = arith.constant 6 : i32
    %get3A_787 = arith.index_cast %get3A_786 : i32 to index
    %get3A_788 = arith.constant 48 : index
    %get3A_789 = tpu.vector_load %arg6[%get3A_787, %get3A_788] {strides = array<i32>} : memref<16x64xf32, #tpu.memory_space<vmem>>, vector<16xf32>,
    %mul3A_790 = vector.broadcast %select_n3A_764 : f32 to vector<16xf32>
    %mul3A_791 = arith.mulf %get3A_789, %mul3A_790 : vector<16xf32>
    %add3A_792 = arith.addf %add3A_757, %mul3A_791 : vector<16xf32>
    %add3A_793 = arith.constant 7 : i32
    %add3A_794 = arith.addi %mul3A_2, %add3A_793 : i32
    %lt3A_795 = arith.constant 200 : i32
    %lt3A_796 = arith.cmpi slt, %add3A_794, %lt3A_795 : i32
    %jit3A_797 = arith.constant 1.000000e+00 : f32
    %jit3A_798 = arith.constant 0.000000e+00 : f32
    %select_n3A_799 = arith.select %lt3A_796, %jit3A_797, %jit3A_798 : f32
    %get3A_800 = arith.constant 7 : i32
    %get3A_801 = arith.index_cast %get3A_800 : i32 to index
    %get3A_802 = arith.constant 0 : index
    %get3A_803 = tpu.vector_load %arg6[%get3A_801, %get3A_802] {strides = array<i32>} : memref<16x64xf32, #tpu.memory_space<vmem>>, vector<16xf32>,
    %mul3A_804 = vector.broadcast %select_n3A_799 : f32 to vector<16xf32>
    %mul3A_805 = arith.mulf %get3A_803, %mul3A_804 : vector<16xf32>
    %add3A_806 = arith.addf %add3A_771, %mul3A_805 : vector<16xf32>
    %get3A_807 = arith.constant 7 : i32
    %get3A_808 = arith.index_cast %get3A_807 : i32 to index
    %get3A_809 = arith.constant 16 : index
    %get3A_810 = tpu.vector_load %arg6[%get3A_808, %get3A_809] {strides = array<i32>} : memref<16x64xf32, #tpu.memory_space<vmem>>, vector<16xf32>,
    %mul3A_811 = vector.broadcast %select_n3A_799 : f32 to vector<16xf32>
    %mul3A_812 = arith.mulf %get3A_810, %mul3A_811 : vector<16xf32>
    %add3A_813 = arith.addf %add3A_778, %mul3A_812 : vector<16xf32>
    %get3A_814 = arith.constant 7 : i32
    %get3A_815 = arith.index_cast %get3A_814 : i32 to index
    %get3A_816 = arith.constant 32 : index
    %get3A_817 = tpu.vector_load %arg6[%get3A_815, %get3A_816] {strides = array<i32>} : memref<16x64xf32, #tpu.memory_space<vmem>>, vector<16xf32>,
    %mul3A_818 = vector.broadcast %select_n3A_799 : f32 to vector<16xf32>
    %mul3A_819 = arith.mulf %get3A_817, %mul3A_818 : vector<16xf32>
    %add3A_820 = arith.addf %add3A_785, %mul3A_819 : vector<16xf32>
    %get3A_821 = arith.constant 7 : i32
    %get3A_822 = arith.index_cast %get3A_821 : i32 to index
    %get3A_823 = arith.constant 48 : index
    %get3A_824 = tpu.vector_load %arg6[%get3A_822, %get3A_823] {strides = array<i32>} : memref<16x64xf32, #tpu.memory_space<vmem>>, vector<16xf32>,
    %mul3A_825 = vector.broadcast %select_n3A_799 : f32 to vector<16xf32>
    %mul3A_826 = arith.mulf %get3A_824, %mul3A_825 : vector<16xf32>
    %add3A_827 = arith.addf %add3A_792, %mul3A_826 : vector<16xf32>
    %add3A_828 = arith.constant 8 : i32
    %add3A_829 = arith.addi %mul3A_2, %add3A_828 : i32
    %lt3A_830 = arith.constant 200 : i32
    %lt3A_831 = arith.cmpi slt, %add3A_829, %lt3A_830 : i32
    %jit3A_832 = arith.constant 1.000000e+00 : f32
    %jit3A_833 = arith.constant 0.000000e+00 : f32
    %select_n3A_834 = arith.select %lt3A_831, %jit3A_832, %jit3A_833 : f32
    %get3A_835 = arith.constant 8 : i32
    %get3A_836 = arith.index_cast %get3A_835 : i32 to index
    %get3A_837 = arith.constant 0 : index
    %get3A_838 = tpu.vector_load %arg6[%get3A_836, %get3A_837] {strides = array<i32>} : memref<16x64xf32, #tpu.memory_space<vmem>>, vector<16xf32>,
    %mul3A_839 = vector.broadcast %select_n3A_834 : f32 to vector<16xf32>
    %mul3A_840 = arith.mulf %get3A_838, %mul3A_839 : vector<16xf32>
    %add3A_841 = arith.addf %add3A_806, %mul3A_840 : vector<16xf32>
    %get3A_842 = arith.constant 8 : i32
    %get3A_843 = arith.index_cast %get3A_842 : i32 to index
    %get3A_844 = arith.constant 16 : index
    %get3A_845 = tpu.vector_load %arg6[%get3A_843, %get3A_844] {strides = array<i32>} : memref<16x64xf32, #tpu.memory_space<vmem>>, vector<16xf32>,
    %mul3A_846 = vector.broadcast %select_n3A_834 : f32 to vector<16xf32>
    %mul3A_847 = arith.mulf %get3A_845, %mul3A_846 : vector<16xf32>
    %add3A_848 = arith.addf %add3A_813, %mul3A_847 : vector<16xf32>
    %get3A_849 = arith.constant 8 : i32
    %get3A_850 = arith.index_cast %get3A_849 : i32 to index
    %get3A_851 = arith.constant 32 : index
    %get3A_852 = tpu.vector_load %arg6[%get3A_850, %get3A_851] {strides = array<i32>} : memref<16x64xf32, #tpu.memory_space<vmem>>, vector<16xf32>,
    %mul3A_853 = vector.broadcast %select_n3A_834 : f32 to vector<16xf32>
    %mul3A_854 = arith.mulf %get3A_852, %mul3A_853 : vector<16xf32>
    %add3A_855 = arith.addf %add3A_820, %mul3A_854 : vector<16xf32>
    %get3A_856 = arith.constant 8 : i32
    %get3A_857 = arith.index_cast %get3A_856 : i32 to index
    %get3A_858 = arith.constant 48 : index
    %get3A_859 = tpu.vector_load %arg6[%get3A_857, %get3A_858] {strides = array<i32>} : memref<16x64xf32, #tpu.memory_space<vmem>>, vector<16xf32>,
    %mul3A_860 = vector.broadcast %select_n3A_834 : f32 to vector<16xf32>
    %mul3A_861 = arith.mulf %get3A_859, %mul3A_860 : vector<16xf32>
    %add3A_862 = arith.addf %add3A_827, %mul3A_861 : vector<16xf32>
    %add3A_863 = arith.constant 9 : i32
    %add3A_864 = arith.addi %mul3A_2, %add3A_863 : i32
    %lt3A_865 = arith.constant 200 : i32
    %lt3A_866 = arith.cmpi slt, %add3A_864, %lt3A_865 : i32
    %jit3A_867 = arith.constant 1.000000e+00 : f32
    %jit3A_868 = arith.constant 0.000000e+00 : f32
    %select_n3A_869 = arith.select %lt3A_866, %jit3A_867, %jit3A_868 : f32
    %get3A_870 = arith.constant 9 : i32
    %get3A_871 = arith.index_cast %get3A_870 : i32 to index
    %get3A_872 = arith.constant 0 : index
    %get3A_873 = tpu.vector_load %arg6[%get3A_871, %get3A_872] {strides = array<i32>} : memref<16x64xf32, #tpu.memory_space<vmem>>, vector<16xf32>,
    %mul3A_874 = vector.broadcast %select_n3A_869 : f32 to vector<16xf32>
    %mul3A_875 = arith.mulf %get3A_873, %mul3A_874 : vector<16xf32>
    %add3A_876 = arith.addf %add3A_841, %mul3A_875 : vector<16xf32>
    %get3A_877 = arith.constant 9 : i32
    %get3A_878 = arith.index_cast %get3A_877 : i32 to index
    %get3A_879 = arith.constant 16 : index
    %get3A_880 = tpu.vector_load %arg6[%get3A_878, %get3A_879] {strides = array<i32>} : memref<16x64xf32, #tpu.memory_space<vmem>>, vector<16xf32>,
    %mul3A_881 = vector.broadcast %select_n3A_869 : f32 to vector<16xf32>
    %mul3A_882 = arith.mulf %get3A_880, %mul3A_881 : vector<16xf32>
    %add3A_883 = arith.addf %add3A_848, %mul3A_882 : vector<16xf32>
    %get3A_884 = arith.constant 9 : i32
    %get3A_885 = arith.index_cast %get3A_884 : i32 to index
    %get3A_886 = arith.constant 32 : index
    %get3A_887 = tpu.vector_load %arg6[%get3A_885, %get3A_886] {strides = array<i32>} : memref<16x64xf32, #tpu.memory_space<vmem>>, vector<16xf32>,
    %mul3A_888 = vector.broadcast %select_n3A_869 : f32 to vector<16xf32>
    %mul3A_889 = arith.mulf %get3A_887, %mul3A_888 : vector<16xf32>
    %add3A_890 = arith.addf %add3A_855, %mul3A_889 : vector<16xf32>
    %get3A_891 = arith.constant 9 : i32
    %get3A_892 = arith.index_cast %get3A_891 : i32 to index
    %get3A_893 = arith.constant 48 : index
    %get3A_894 = tpu.vector_load %arg6[%get3A_892, %get3A_893] {strides = array<i32>} : memref<16x64xf32, #tpu.memory_space<vmem>>, vector<16xf32>,
    %mul3A_895 = vector.broadcast %select_n3A_869 : f32 to vector<16xf32>
    %mul3A_896 = arith.mulf %get3A_894, %mul3A_895 : vector<16xf32>
    %add3A_897 = arith.addf %add3A_862, %mul3A_896 : vector<16xf32>
    %add3A_898 = arith.constant 10 : i32
    %add3A_899 = arith.addi %mul3A_2, %add3A_898 : i32
    %lt3A_900 = arith.constant 200 : i32
    %lt3A_901 = arith.cmpi slt, %add3A_899, %lt3A_900 : i32
    %jit3A_902 = arith.constant 1.000000e+00 : f32
    %jit3A_903 = arith.constant 0.000000e+00 : f32
    %select_n3A_904 = arith.select %lt3A_901, %jit3A_902, %jit3A_903 : f32
    %get3A_905 = arith.constant 10 : i32
    %get3A_906 = arith.index_cast %get3A_905 : i32 to index
    %get3A_907 = arith.constant 0 : index
    %get3A_908 = tpu.vector_load %arg6[%get3A_906, %get3A_907] {strides = array<i32>} : memref<16x64xf32, #tpu.memory_space<vmem>>, vector<16xf32>,
    %mul3A_909 = vector.broadcast %select_n3A_904 : f32 to vector<16xf32>
    %mul3A_910 = arith.mulf %get3A_908, %mul3A_909 : vector<16xf32>
    %add3A_911 = arith.addf %add3A_876, %mul3A_910 : vector<16xf32>
    %get3A_912 = arith.constant 10 : i32
    %get3A_913 = arith.index_cast %get3A_912 : i32 to index
    %get3A_914 = arith.constant 16 : index
    %get3A_915 = tpu.vector_load %arg6[%get3A_913, %get3A_914] {strides = array<i32>} : memref<16x64xf32, #tpu.memory_space<vmem>>, vector<16xf32>,
    %mul3A_916 = vector.broadcast %select_n3A_904 : f32 to vector<16xf32>
    %mul3A_917 = arith.mulf %get3A_915, %mul3A_916 : vector<16xf32>
    %add3A_918 = arith.addf %add3A_883, %mul3A_917 : vector<16xf32>
    %get3A_919 = arith.constant 10 : i32
    %get3A_920 = arith.index_cast %get3A_919 : i32 to index
    %get3A_921 = arith.constant 32 : index
    %get3A_922 = tpu.vector_load %arg6[%get3A_920, %get3A_921] {strides = array<i32>} : memref<16x64xf32, #tpu.memory_space<vmem>>, vector<16xf32>,
    %mul3A_923 = vector.broadcast %select_n3A_904 : f32 to vector<16xf32>
    %mul3A_924 = arith.mulf %get3A_922, %mul3A_923 : vector<16xf32>
    %add3A_925 = arith.addf %add3A_890, %mul3A_924 : vector<16xf32>
    %get3A_926 = arith.constant 10 : i32
    %get3A_927 = arith.index_cast %get3A_926 : i32 to index
    %get3A_928 = arith.constant 48 : index
    %get3A_929 = tpu.vector_load %arg6[%get3A_927, %get3A_928] {strides = array<i32>} : memref<16x64xf32, #tpu.memory_space<vmem>>, vector<16xf32>,
    %mul3A_930 = vector.broadcast %select_n3A_904 : f32 to vector<16xf32>
    %mul3A_931 = arith.mulf %get3A_929, %mul3A_930 : vector<16xf32>
    %add3A_932 = arith.addf %add3A_897, %mul3A_931 : vector<16xf32>
    %add3A_933 = arith.constant 11 : i32
    %add3A_934 = arith.addi %mul3A_2, %add3A_933 : i32
    %lt3A_935 = arith.constant 200 : i32
    %lt3A_936 = arith.cmpi slt, %add3A_934, %lt3A_935 : i32
    %jit3A_937 = arith.constant 1.000000e+00 : f32
    %jit3A_938 = arith.constant 0.000000e+00 : f32
    %select_n3A_939 = arith.select %lt3A_936, %jit3A_937, %jit3A_938 : f32
    %get3A_940 = arith.constant 11 : i32
    %get3A_941 = arith.index_cast %get3A_940 : i32 to index
    %get3A_942 = arith.constant 0 : index
    %get3A_943 = tpu.vector_load %arg6[%get3A_941, %get3A_942] {strides = array<i32>} : memref<16x64xf32, #tpu.memory_space<vmem>>, vector<16xf32>,
    %mul3A_944 = vector.broadcast %select_n3A_939 : f32 to vector<16xf32>
    %mul3A_945 = arith.mulf %get3A_943, %mul3A_944 : vector<16xf32>
    %add3A_946 = arith.addf %add3A_911, %mul3A_945 : vector<16xf32>
    %get3A_947 = arith.constant 11 : i32
    %get3A_948 = arith.index_cast %get3A_947 : i32 to index
    %get3A_949 = arith.constant 16 : index
    %get3A_950 = tpu.vector_load %arg6[%get3A_948, %get3A_949] {strides = array<i32>} : memref<16x64xf32, #tpu.memory_space<vmem>>, vector<16xf32>,
    %mul3A_951 = vector.broadcast %select_n3A_939 : f32 to vector<16xf32>
    %mul3A_952 = arith.mulf %get3A_950, %mul3A_951 : vector<16xf32>
    %add3A_953 = arith.addf %add3A_918, %mul3A_952 : vector<16xf32>
    %get3A_954 = arith.constant 11 : i32
    %get3A_955 = arith.index_cast %get3A_954 : i32 to index
    %get3A_956 = arith.constant 32 : index
    %get3A_957 = tpu.vector_load %arg6[%get3A_955, %get3A_956] {strides = array<i32>} : memref<16x64xf32, #tpu.memory_space<vmem>>, vector<16xf32>,
    %mul3A_958 = vector.broadcast %select_n3A_939 : f32 to vector<16xf32>
    %mul3A_959 = arith.mulf %get3A_957, %mul3A_958 : vector<16xf32>
    %add3A_960 = arith.addf %add3A_925, %mul3A_959 : vector<16xf32>
    %get3A_961 = arith.constant 11 : i32
    %get3A_962 = arith.index_cast %get3A_961 : i32 to index
    %get3A_963 = arith.constant 48 : index
    %get3A_964 = tpu.vector_load %arg6[%get3A_962, %get3A_963] {strides = array<i32>} : memref<16x64xf32, #tpu.memory_space<vmem>>, vector<16xf32>,
    %mul3A_965 = vector.broadcast %select_n3A_939 : f32 to vector<16xf32>
    %mul3A_966 = arith.mulf %get3A_964, %mul3A_965 : vector<16xf32>
    %add3A_967 = arith.addf %add3A_932, %mul3A_966 : vector<16xf32>
    %add3A_968 = arith.constant 12 : i32
    %add3A_969 = arith.addi %mul3A_2, %add3A_968 : i32
    %lt3A_970 = arith.constant 200 : i32
    %lt3A_971 = arith.cmpi slt, %add3A_969, %lt3A_970 : i32
    %jit3A_972 = arith.constant 1.000000e+00 : f32
    %jit3A_973 = arith.constant 0.000000e+00 : f32
    %select_n3A_974 = arith.select %lt3A_971, %jit3A_972, %jit3A_973 : f32
    %get3A_975 = arith.constant 12 : i32
    %get3A_976 = arith.index_cast %get3A_975 : i32 to index
    %get3A_977 = arith.constant 0 : index
    %get3A_978 = tpu.vector_load %arg6[%get3A_976, %get3A_977] {strides = array<i32>} : memref<16x64xf32, #tpu.memory_space<vmem>>, vector<16xf32>,
    %mul3A_979 = vector.broadcast %select_n3A_974 : f32 to vector<16xf32>
    %mul3A_980 = arith.mulf %get3A_978, %mul3A_979 : vector<16xf32>
    %add3A_981 = arith.addf %add3A_946, %mul3A_980 : vector<16xf32>
    %get3A_982 = arith.constant 12 : i32
    %get3A_983 = arith.index_cast %get3A_982 : i32 to index
    %get3A_984 = arith.constant 16 : index
    %get3A_985 = tpu.vector_load %arg6[%get3A_983, %get3A_984] {strides = array<i32>} : memref<16x64xf32, #tpu.memory_space<vmem>>, vector<16xf32>,
    %mul3A_986 = vector.broadcast %select_n3A_974 : f32 to vector<16xf32>
    %mul3A_987 = arith.mulf %get3A_985, %mul3A_986 : vector<16xf32>
    %add3A_988 = arith.addf %add3A_953, %mul3A_987 : vector<16xf32>
    %get3A_989 = arith.constant 12 : i32
    %get3A_990 = arith.index_cast %get3A_989 : i32 to index
    %get3A_991 = arith.constant 32 : index
    %get3A_992 = tpu.vector_load %arg6[%get3A_990, %get3A_991] {strides = array<i32>} : memref<16x64xf32, #tpu.memory_space<vmem>>, vector<16xf32>,
    %mul3A_993 = vector.broadcast %select_n3A_974 : f32 to vector<16xf32>
    %mul3A_994 = arith.mulf %get3A_992, %mul3A_993 : vector<16xf32>
    %add3A_995 = arith.addf %add3A_960, %mul3A_994 : vector<16xf32>
    %get3A_996 = arith.constant 12 : i32
    %get3A_997 = arith.index_cast %get3A_996 : i32 to index
    %get3A_998 = arith.constant 48 : index
    %get3A_999 = tpu.vector_load %arg6[%get3A_997, %get3A_998] {strides = array<i32>} : memref<16x64xf32, #tpu.memory_space<vmem>>, vector<16xf32>,
    %mul3A_1000 = vector.broadcast %select_n3A_974 : f32 to vector<16xf32>
    %mul3A_1001 = arith.mulf %get3A_999, %mul3A_1000 : vector<16xf32>
    %add3A_1002 = arith.addf %add3A_967, %mul3A_1001 : vector<16xf32>
    %add3A_1003 = arith.constant 13 : i32
    %add3A_1004 = arith.addi %mul3A_2, %add3A_1003 : i32
    %lt3A_1005 = arith.constant 200 : i32
    %lt3A_1006 = arith.cmpi slt, %add3A_1004, %lt3A_1005 : i32
    %jit3A_1007 = arith.constant 1.000000e+00 : f32
    %jit3A_1008 = arith.constant 0.000000e+00 : f32
    %select_n3A_1009 = arith.select %lt3A_1006, %jit3A_1007, %jit3A_1008 : f32
    %get3A_1010 = arith.constant 13 : i32
    %get3A_1011 = arith.index_cast %get3A_1010 : i32 to index
    %get3A_1012 = arith.constant 0 : index
    %get3A_1013 = tpu.vector_load %arg6[%get3A_1011, %get3A_1012] {strides = array<i32>} : memref<16x64xf32, #tpu.memory_space<vmem>>, vector<16xf32>,
    %mul3A_1014 = vector.broadcast %select_n3A_1009 : f32 to vector<16xf32>
    %mul3A_1015 = arith.mulf %get3A_1013, %mul3A_1014 : vector<16xf32>
    %add3A_1016 = arith.addf %add3A_981, %mul3A_1015 : vector<16xf32>
    %get3A_1017 = arith.constant 13 : i32
    %get3A_1018 = arith.index_cast %get3A_1017 : i32 to index
    %get3A_1019 = arith.constant 16 : index
    %get3A_1020 = tpu.vector_load %arg6[%get3A_1018, %get3A_1019] {strides = array<i32>} : memref<16x64xf32, #tpu.memory_space<vmem>>, vector<16xf32>,
    %mul3A_1021 = vector.broadcast %select_n3A_1009 : f32 to vector<16xf32>
    %mul3A_1022 = arith.mulf %get3A_1020, %mul3A_1021 : vector<16xf32>
    %add3A_1023 = arith.addf %add3A_988, %mul3A_1022 : vector<16xf32>
    %get3A_1024 = arith.constant 13 : i32
    %get3A_1025 = arith.index_cast %get3A_1024 : i32 to index
    %get3A_1026 = arith.constant 32 : index
    %get3A_1027 = tpu.vector_load %arg6[%get3A_1025, %get3A_1026] {strides = array<i32>} : memref<16x64xf32, #tpu.memory_space<vmem>>, vector<16xf32>,
    %mul3A_1028 = vector.broadcast %select_n3A_1009 : f32 to vector<16xf32>
    %mul3A_1029 = arith.mulf %get3A_1027, %mul3A_1028 : vector<16xf32>
    %add3A_1030 = arith.addf %add3A_995, %mul3A_1029 : vector<16xf32>
    %get3A_1031 = arith.constant 13 : i32
    %get3A_1032 = arith.index_cast %get3A_1031 : i32 to index
    %get3A_1033 = arith.constant 48 : index
    %get3A_1034 = tpu.vector_load %arg6[%get3A_1032, %get3A_1033] {strides = array<i32>} : memref<16x64xf32, #tpu.memory_space<vmem>>, vector<16xf32>,
    %mul3A_1035 = vector.broadcast %select_n3A_1009 : f32 to vector<16xf32>
    %mul3A_1036 = arith.mulf %get3A_1034, %mul3A_1035 : vector<16xf32>
    %add3A_1037 = arith.addf %add3A_1002, %mul3A_1036 : vector<16xf32>
    %add3A_1038 = arith.constant 14 : i32
    %add3A_1039 = arith.addi %mul3A_2, %add3A_1038 : i32
    %lt3A_1040 = arith.constant 200 : i32
    %lt3A_1041 = arith.cmpi slt, %add3A_1039, %lt3A_1040 : i32
    %jit3A_1042 = arith.constant 1.000000e+00 : f32
    %jit3A_1043 = arith.constant 0.000000e+00 : f32
    %select_n3A_1044 = arith.select %lt3A_1041, %jit3A_1042, %jit3A_1043 : f32
    %get3A_1045 = arith.constant 14 : i32
    %get3A_1046 = arith.index_cast %get3A_1045 : i32 to index
    %get3A_1047 = arith.constant 0 : index
    %get3A_1048 = tpu.vector_load %arg6[%get3A_1046, %get3A_1047] {strides = array<i32>} : memref<16x64xf32, #tpu.memory_space<vmem>>, vector<16xf32>,
    %mul3A_1049 = vector.broadcast %select_n3A_1044 : f32 to vector<16xf32>
    %mul3A_1050 = arith.mulf %get3A_1048, %mul3A_1049 : vector<16xf32>
    %add3A_1051 = arith.addf %add3A_1016, %mul3A_1050 : vector<16xf32>
    %get3A_1052 = arith.constant 14 : i32
    %get3A_1053 = arith.index_cast %get3A_1052 : i32 to index
    %get3A_1054 = arith.constant 16 : index
    %get3A_1055 = tpu.vector_load %arg6[%get3A_1053, %get3A_1054] {strides = array<i32>} : memref<16x64xf32, #tpu.memory_space<vmem>>, vector<16xf32>,
    %mul3A_1056 = vector.broadcast %select_n3A_1044 : f32 to vector<16xf32>
    %mul3A_1057 = arith.mulf %get3A_1055, %mul3A_1056 : vector<16xf32>
    %add3A_1058 = arith.addf %add3A_1023, %mul3A_1057 : vector<16xf32>
    %get3A_1059 = arith.constant 14 : i32
    %get3A_1060 = arith.index_cast %get3A_1059 : i32 to index
    %get3A_1061 = arith.constant 32 : index
    %get3A_1062 = tpu.vector_load %arg6[%get3A_1060, %get3A_1061] {strides = array<i32>} : memref<16x64xf32, #tpu.memory_space<vmem>>, vector<16xf32>,
    %mul3A_1063 = vector.broadcast %select_n3A_1044 : f32 to vector<16xf32>
    %mul3A_1064 = arith.mulf %get3A_1062, %mul3A_1063 : vector<16xf32>
    %add3A_1065 = arith.addf %add3A_1030, %mul3A_1064 : vector<16xf32>
    %get3A_1066 = arith.constant 14 : i32
    %get3A_1067 = arith.index_cast %get3A_1066 : i32 to index
    %get3A_1068 = arith.constant 48 : index
    %get3A_1069 = tpu.vector_load %arg6[%get3A_1067, %get3A_1068] {strides = array<i32>} : memref<16x64xf32, #tpu.memory_space<vmem>>, vector<16xf32>,
    %mul3A_1070 = vector.broadcast %select_n3A_1044 : f32 to vector<16xf32>
    %mul3A_1071 = arith.mulf %get3A_1069, %mul3A_1070 : vector<16xf32>
    %add3A_1072 = arith.addf %add3A_1037, %mul3A_1071 : vector<16xf32>
    %add3A_1073 = arith.constant 15 : i32
    %add3A_1074 = arith.addi %mul3A_2, %add3A_1073 : i32
    %lt3A_1075 = arith.constant 200 : i32
    %lt3A_1076 = arith.cmpi slt, %add3A_1074, %lt3A_1075 : i32
    %jit3A_1077 = arith.constant 1.000000e+00 : f32
    %jit3A_1078 = arith.constant 0.000000e+00 : f32
    %select_n3A_1079 = arith.select %lt3A_1076, %jit3A_1077, %jit3A_1078 : f32
    %get3A_1080 = arith.constant 15 : i32
    %get3A_1081 = arith.index_cast %get3A_1080 : i32 to index
    %get3A_1082 = arith.constant 0 : index
    %get3A_1083 = tpu.vector_load %arg6[%get3A_1081, %get3A_1082] {strides = array<i32>} : memref<16x64xf32, #tpu.memory_space<vmem>>, vector<16xf32>,
    %mul3A_1084 = vector.broadcast %select_n3A_1079 : f32 to vector<16xf32>
    %mul3A_1085 = arith.mulf %get3A_1083, %mul3A_1084 : vector<16xf32>
    %add3A_1086 = arith.addf %add3A_1051, %mul3A_1085 : vector<16xf32>
    %get3A_1087 = arith.constant 15 : i32
    %get3A_1088 = arith.index_cast %get3A_1087 : i32 to index
    %get3A_1089 = arith.constant 16 : index
    %get3A_1090 = tpu.vector_load %arg6[%get3A_1088, %get3A_1089] {strides = array<i32>} : memref<16x64xf32, #tpu.memory_space<vmem>>, vector<16xf32>,
    %mul3A_1091 = vector.broadcast %select_n3A_1079 : f32 to vector<16xf32>
    %mul3A_1092 = arith.mulf %get3A_1090, %mul3A_1091 : vector<16xf32>
    %add3A_1093 = arith.addf %add3A_1058, %mul3A_1092 : vector<16xf32>
    %get3A_1094 = arith.constant 15 : i32
    %get3A_1095 = arith.index_cast %get3A_1094 : i32 to index
    %get3A_1096 = arith.constant 32 : index
    %get3A_1097 = tpu.vector_load %arg6[%get3A_1095, %get3A_1096] {strides = array<i32>} : memref<16x64xf32, #tpu.memory_space<vmem>>, vector<16xf32>,
    %mul3A_1098 = vector.broadcast %select_n3A_1079 : f32 to vector<16xf32>
    %mul3A_1099 = arith.mulf %get3A_1097, %mul3A_1098 : vector<16xf32>
    %add3A_1100 = arith.addf %add3A_1065, %mul3A_1099 : vector<16xf32>
    %get3A_1101 = arith.constant 15 : i32
    %get3A_1102 = arith.index_cast %get3A_1101 : i32 to index
    %get3A_1103 = arith.constant 48 : index
    %get3A_1104 = tpu.vector_load %arg6[%get3A_1102, %get3A_1103] {strides = array<i32>} : memref<16x64xf32, #tpu.memory_space<vmem>>, vector<16xf32>,
    %mul3A_1105 = vector.broadcast %select_n3A_1079 : f32 to vector<16xf32>
    %mul3A_1106 = arith.mulf %get3A_1104, %mul3A_1105 : vector<16xf32>
    %add3A_1107 = arith.addf %add3A_1072, %mul3A_1106 : vector<16xf32>
    %swap3A = arith.constant 0 : i32
    %swap3A_1108 = arith.index_cast %swap3A : i32 to index
    %swap3A_1109 = arith.constant 0 : index
    %swap3A_1110 = tpu.vector_load %arg7[%swap3A_1108, %swap3A_1109] {strides = array<i32>} : memref<1x64xf32, #tpu.memory_space<vmem>>, vector<16xf32>,
    tpu.vector_store %arg7[%swap3A_1108, %swap3A_1109], %add3A_1086 {strides = array<i32>} : memref<1x64xf32, #tpu.memory_space<vmem>>, vector<16xf32>,
    %swap3A_1111 = arith.constant 0 : i32
    %swap3A_1112 = arith.index_cast %swap3A_1111 : i32 to index
    %swap3A_1113 = arith.constant 16 : index
    %swap3A_1114 = tpu.vector_load %arg7[%swap3A_1112, %swap3A_1113] {strides = array<i32>} : memref<1x64xf32, #tpu.memory_space<vmem>>, vector<16xf32>,
    tpu.vector_store %arg7[%swap3A_1112, %swap3A_1113], %add3A_1093 {strides = array<i32>} : memref<1x64xf32, #tpu.memory_space<vmem>>, vector<16xf32>,
    %swap3A_1115 = arith.constant 0 : i32
    %swap3A_1116 = arith.index_cast %swap3A_1115 : i32 to index
    %swap3A_1117 = arith.constant 32 : index
    %swap3A_1118 = tpu.vector_load %arg7[%swap3A_1116, %swap3A_1117] {strides = array<i32>} : memref<1x64xf32, #tpu.memory_space<vmem>>, vector<16xf32>,
    tpu.vector_store %arg7[%swap3A_1116, %swap3A_1117], %add3A_1100 {strides = array<i32>} : memref<1x64xf32, #tpu.memory_space<vmem>>, vector<16xf32>,
    %swap3A_1119 = arith.constant 0 : i32
    %swap3A_1120 = arith.index_cast %swap3A_1119 : i32 to index
    %swap3A_1121 = arith.constant 48 : index
    %swap3A_1122 = tpu.vector_load %arg7[%swap3A_1120, %swap3A_1121] {strides = array<i32>} : memref<1x64xf32, #tpu.memory_space<vmem>>, vector<16xf32>,
    tpu.vector_store %arg7[%swap3A_1120, %swap3A_1121], %add3A_1107 {strides = array<i32>} : memref<1x64xf32, #tpu.memory_space<vmem>>, vector<16xf32>,
    "tpu.region"() ({
      %run_scoped3A = tpu.sem_alloc : memref<!tpu.dma_semaphore, #tpu.memory_space<semaphore_mem>>
      %dma_start3A_1123 = arith.constant 0 : i32
      %dma_start3A_1124 = tpu.memref_slice %arg4[%add3A, %dma_start3A_1123] : memref<32x64xf32, #tpu.memory_space<hbm>> -> memref<1x64xf32, #tpu.memory_space<hbm>>
      %dma_start3A_1125 = arith.constant 0 : i32
      %dma_start3A_1126 = tpu.memref_slice %arg4[%add3A, %dma_start3A_1125] : memref<32x64xf32, #tpu.memory_space<hbm>> -> memref<1x64xf32, #tpu.memory_space<hbm>>
      tpu.enqueue_dma source(%arg7 : memref<1x64xf32, #tpu.memory_space<vmem>>) target(%dma_start3A_1126 : memref<1x64xf32, #tpu.memory_space<hbm>>) target_semaphore(%run_scoped3A : memref<!tpu.dma_semaphore, #tpu.memory_space<semaphore_mem>>)
      %dma_wait3A_1127 = arith.constant 0 : i32
      %dma_wait3A_1128 = tpu.memref_slice %arg4[%add3A, %dma_wait3A_1127] : memref<32x64xf32, #tpu.memory_space<hbm>> -> memref<1x64xf32, #tpu.memory_space<hbm>>
      %dma_wait3A_1129 = arith.constant 0 : i32
      %dma_wait3A_1130 = tpu.memref_slice %arg4[%add3A, %dma_wait3A_1129] : memref<32x64xf32, #tpu.memory_space<hbm>> -> memref<1x64xf32, #tpu.memory_space<hbm>>
      tpu.wait_dma2 semaphore(%run_scoped3A : memref<!tpu.dma_semaphore, #tpu.memory_space<semaphore_mem>>) src(%arg7 : memref<1x64xf32, #tpu.memory_space<vmem>>) dst(%dma_wait3A_1130 : memref<1x64xf32, #tpu.memory_space<hbm>>)
      tpu.yield
    }) : () -> ()
    return
  }
}

module attributes {stable_mosaic.version = 14 : i64} {
  func.func @_cbow_body(%arg0: i32, %arg1: memref<32x64xf32, #tpu.memory_space<vmem>>, %arg2: memref<1x8000x64xf32, #tpu.memory_space<vmem>>, %arg3: memref<1x1x8000xf32, #tpu.memory_space<vmem>>, %arg4: memref<125x8000xf32, #tpu.memory_space<vmem>>, %arg5: memref<1xf32, #tpu.memory_space<smem>>, %arg6: memref<1xf32, #tpu.memory_space<smem>>) attributes {dimension_semantics = [#tpu.dimension_semantics<arbitrary>], iteration_bounds = array<i64: 125>, scalar_prefetch = 0 : i64, scratch_operands = 2 : i64, tpu.core_type = #tpu.core_type<tc>, window_params = [{pipeline_mode = #tpu.pipeline_mode<synchronous>, transform_indices = @transform_0, window_bounds = array<i64: 32, 64>}, {transform_indices = @transform_1, window_bounds = array<i64: 1, 8000, 64>}, {transform_indices = @transform_2, window_bounds = array<i64: 1, 1, 8000>}, {pipeline_mode = #tpu.pipeline_mode<synchronous>, transform_indices = @transform_3, window_bounds = array<i64: 125, 8000>}]} {
    %eq3A = arith.constant 0 : i32
    %eq3A_0 = arith.cmpi eq, %arg0, %eq3A : i32
    %convert_element_type3A = arith.extui %eq3A_0 : i1 to i32
    %cond3A = arith.constant 0 : i32
    %cond3A_1 = arith.cmpi ne, %convert_element_type3A, %cond3A : i32
    scf.if %cond3A_1 {
      %swap3A_47 = arith.constant 0xFF800000 : f32
      %swap3A_48 = arith.constant 0 : index
      %swap3A_49 = memref.load %arg5[%swap3A_48] : memref<1xf32, #tpu.memory_space<smem>>
      memref.store %swap3A_47, %arg5[%swap3A_48] : memref<1xf32, #tpu.memory_space<smem>>
      %swap3A_50 = arith.constant 0.000000e+00 : f32
      %swap3A_51 = arith.constant 0 : index
      %swap3A_52 = memref.load %arg6[%swap3A_51] : memref<1xf32, #tpu.memory_space<smem>>
      memref.store %swap3A_50, %arg6[%swap3A_51] : memref<1xf32, #tpu.memory_space<smem>>
    } else {
    }
    %get3A = arith.constant 0 : index
    %get3A_2 = arith.constant 0 : index
    %get3A_3 = vector.load %arg1[%get3A, %get3A_2] : memref<32x64xf32, #tpu.memory_space<vmem>>, vector<32x64xf32>
    %reduce_sum3A = arith.constant dense<0.000000e+00> : vector<64xf32>
    %reduce_sum3A_4 = vector.multi_reduction <add>, %get3A_3, %reduce_sum3A [0] : vector<32x64xf32> to vector<64xf32>
    %broadcast_in_dim3A = vector.shape_cast %reduce_sum3A_4 : vector<64xf32> to vector<1x64xf32>
    %mul3A = arith.constant 5.000000e-03 : f32
    %mul3A_5 = vector.broadcast %mul3A : f32 to vector<1x64xf32>
    %mul3A_6 = arith.mulf %broadcast_in_dim3A, %mul3A_5 : vector<1x64xf32>
    %get3A_7 = arith.constant 0 : index
    %get3A_8 = arith.constant 0 : index
    %get3A_9 = arith.constant 0 : index
    %get3A_10 = vector.load %arg2[%get3A_7, %get3A_8, %get3A_9] : memref<1x8000x64xf32, #tpu.memory_space<vmem>>, vector<1x8000x64xf32>
    %get3A_11 = vector.shape_cast %get3A_10 : vector<1x8000x64xf32> to vector<8000x64xf32>
    %dot_general3A = arith.constant dense<0.000000e+00> : vector<1x8000xf32>
    %dot_general3A_12 = tpu.matmul %mul3A_6, %get3A_11, %dot_general3A {dimension_numbers = #tpu.dot_dimension_numbers<[1], [1], [0], [0], [0, 0, 1, 0], [], []>, transpose_lhs_hint = false} : vector<1x64xf32>, vector<8000x64xf32>, vector<1x8000xf32> -> vector<1x8000xf32>
    %get3A_13 = arith.constant 0 : index
    %get3A_14 = arith.constant 0 : index
    %get3A_15 = arith.constant 0 : index
    %get3A_16 = vector.load %arg3[%get3A_13, %get3A_14, %get3A_15] : memref<1x1x8000xf32, #tpu.memory_space<vmem>>, vector<1x1x8000xf32>
    %get3A_17 = vector.shape_cast %get3A_16 : vector<1x1x8000xf32> to vector<1x8000xf32>
    %add3A = arith.addf %dot_general3A_12, %get3A_17 : vector<1x8000xf32>
    %swap3A = arith.index_cast %arg0 : i32 to index
    %swap3A_18 = arith.constant 0 : index
    %swap3A_19 = vector.load %arg4[%swap3A, %swap3A_18] : memref<125x8000xf32, #tpu.memory_space<vmem>>, vector<1x8000xf32>
    tpu.vector_store %arg4[%swap3A, %swap3A_18], %add3A {strides = array<i32>} : memref<125x8000xf32, #tpu.memory_space<vmem>>, vector<1x8000xf32>,
    %reduce_max3A = vector.shape_cast %add3A : vector<1x8000xf32> to vector<1x1x8000xf32>
    %reduce_max3A_20 = arith.constant dense<0xFF800000> : vector<1xf32>
    %reduce_max3A_21 = vector.multi_reduction <maximumf>, %reduce_max3A, %reduce_max3A_20 [1, 2] : vector<1x1x8000xf32> to vector<1xf32>
    %reduce_max3A_22 = vector.shape_cast %reduce_max3A_21 : vector<1xf32> to vector<1x1x1xf32>
    %reduce_max3A_23 = vector.extract %reduce_max3A_22[0, 0, 0] : f32 from vector<1x1x1xf32>
    %get3A_24 = arith.constant 0 : index
    %get3A_25 = memref.load %arg5[%get3A_24] : memref<1xf32, #tpu.memory_space<smem>>
    %max3A = arith.maximumf %get3A_25, %reduce_max3A_23 : f32
    %get3A_26 = arith.constant 0 : index
    %get3A_27 = memref.load %arg6[%get3A_26] : memref<1xf32, #tpu.memory_space<smem>>
    %sub3A = arith.subf %get3A_25, %max3A : f32
    %exp3A = math.exp %sub3A : f32
    %mul3A_28 = arith.mulf %get3A_27, %exp3A : f32
    %sub3A_29 = vector.broadcast %max3A : f32 to vector<1x8000xf32>
    %sub3A_30 = arith.subf %add3A, %sub3A_29 : vector<1x8000xf32>
    %exp3A_31 = math.exp %sub3A_30 : vector<1x8000xf32>
    %reduce_sum3A_32 = vector.shape_cast %exp3A_31 : vector<1x8000xf32> to vector<1x1x8000xf32>
    %reduce_sum3A_33 = arith.constant dense<0.000000e+00> : vector<1xf32>
    %reduce_sum3A_34 = vector.multi_reduction <add>, %reduce_sum3A_32, %reduce_sum3A_33 [1, 2] : vector<1x1x8000xf32> to vector<1xf32>
    %reduce_sum3A_35 = vector.shape_cast %reduce_sum3A_34 : vector<1xf32> to vector<1x1x1xf32>
    %reduce_sum3A_36 = vector.extract %reduce_sum3A_35[0, 0, 0] : f32 from vector<1x1x1xf32>
    %add3A_37 = arith.addf %mul3A_28, %reduce_sum3A_36 : f32
    %swap3A_38 = arith.constant 0 : index
    %swap3A_39 = memref.load %arg6[%swap3A_38] : memref<1xf32, #tpu.memory_space<smem>>
    memref.store %add3A_37, %arg6[%swap3A_38] : memref<1xf32, #tpu.memory_space<smem>>
    %swap3A_40 = arith.constant 0 : index
    %swap3A_41 = memref.load %arg5[%swap3A_40] : memref<1xf32, #tpu.memory_space<smem>>
    memref.store %max3A, %arg5[%swap3A_40] : memref<1xf32, #tpu.memory_space<smem>>
    %eq3A_42 = arith.constant 124 : i32
    %eq3A_43 = arith.cmpi eq, %arg0, %eq3A_42 : i32
    %convert_element_type3A_44 = arith.extui %eq3A_43 : i1 to i32
    %cond3A_45 = arith.constant 0 : i32
    %cond3A_46 = arith.cmpi ne, %convert_element_type3A_44, %cond3A_45 : i32
    scf.if %cond3A_46 {
      %get3A_47 = arith.constant 0 : index
      %get3A_48 = memref.load %arg5[%get3A_47] : memref<1xf32, #tpu.memory_space<smem>>
      %get3A_49 = arith.constant 0 : index
      %get3A_50 = memref.load %arg6[%get3A_49] : memref<1xf32, #tpu.memory_space<smem>>
      %log3A = math.log %get3A_50 : f32
      %add3A_51 = arith.addf %get3A_48, %log3A : f32
      %get3A_52 = arith.constant 0 : index
      %get3A_53 = arith.constant 0 : index
      %get3A_54 = vector.load %arg4[%get3A_52, %get3A_53] : memref<125x8000xf32, #tpu.memory_space<vmem>>, vector<125x8000xf32>
      %sub3A_55 = vector.broadcast %add3A_51 : f32 to vector<125x8000xf32>
      %sub3A_56 = arith.subf %get3A_54, %sub3A_55 : vector<125x8000xf32>
      %swap3A_57 = arith.constant 0 : index
      %swap3A_58 = arith.constant 0 : index
      %swap3A_59 = vector.load %arg4[%swap3A_57, %swap3A_58] : memref<125x8000xf32, #tpu.memory_space<vmem>>, vector<125x8000xf32>
      tpu.vector_store %arg4[%swap3A_57, %swap3A_58], %sub3A_56 {strides = array<i32>} : memref<125x8000xf32, #tpu.memory_space<vmem>>, vector<125x8000xf32>,
    } else {
    }
    return
  }
  func.func @transform_0(%arg0: i32) -> (i32, i32) {
    %c0_i32 = arith.constant 0 : i32
    %c0_i32_0 = arith.constant 0 : i32
    %c0_i32_1 = arith.constant 0 : i32
    return %c0_i32, %c0_i32_0 : i32, i32
  }
  func.func @transform_1(%arg0: i32) -> (i32, i32, i32) {
    %c0_i32 = arith.constant 0 : i32
    %c0_i32_0 = arith.constant 0 : i32
    %c0_i32_1 = arith.constant 0 : i32
    return %arg0, %c0_i32, %c0_i32_0 : i32, i32, i32
  }
  func.func @transform_2(%arg0: i32) -> (i32, i32, i32) {
    %c0_i32 = arith.constant 0 : i32
    %c0_i32_0 = arith.constant 0 : i32
    %c0_i32_1 = arith.constant 0 : i32
    return %arg0, %c0_i32, %c0_i32_0 : i32, i32, i32
  }
  func.func @transform_3(%arg0: i32) -> (i32, i32) {
    %c0_i32 = arith.constant 0 : i32
    %c0_i32_0 = arith.constant 0 : i32
    %c0_i32_1 = arith.constant 0 : i32
    return %c0_i32, %c0_i32_0 : i32, i32
  }
}

</mosaic_0001>

<sc_bundles>
// kernel: kernel.4.cloned.1.call-start
scs
__scs_entry_jumppad:
0x0: {  	(pc) =	sbr.rel $0x88, $3  }
0x1: {  	(tag) =	ssettag $0x0;
	lr =	simm.s32 $0x1  }
0x2: {  	[smem:$0x3F9D] =	sst lr;
	_ =	strace $0xD0000000  }
0x3: {  	_ = 	snop  }
0x4: {  	_ = 	snop  }
0x5: {  	_ = 	snop  }
0x6: {  	_ = 	snop  }
0x7: {  	_ = 	snop  }
__scs_overlays_trampoline_lowered:
0x8: {  	[smem:$0x3FAC] =	sst s0  }
0x9: {  	[smem:$0x3FAD] =	sst s1  }
0xa: {  	[smem:$0x3FAE] =	sst s2  }
0xb: {  	[smem:$0x3FAF] =	sst s3  }
0xc: {  	[smem:$0x3FB0] =	sst s4  }
0xd: {  	[smem:$0x3FB1] =	sst s5  }
0xe: {  	[smem:$0x3FB2] =	sst s6  }
0xf: {  	[smem:$0x3FB3] =	sst s7  }
0x10: {  	[smem:$0x3FB4] =	sst s8  }
0x11: {  	[smem:$0x3FB5] =	sst s9;
	s0 =	simm.s32 @!p0 $0x0  }
0x12: {  	s1 =	sld [smem:$0x3F9B];
	s0 =	simm.s32 @p0 $0x1  }
0x13: {  	[smem:$0x3FB6] =	sst s0;
	s0 =	simm.s32 @!p1 $0x0  }
0x14: {  	s2 =	sld [smem:$0x3F9A];
	s0 =	simm.s32 @p1 $0x1  }
0x15: {  	[smem:$0x3FB7] =	sst s0;
	s0 =	simm.s32 @!p2 $0x0  }
0x16: {  	s3 =	sld [smem:$0x3FDB];
	s0 =	simm.s32 @p2 $0x1  }
0x17: {  	s4 =	simm.s32 $0x1BF5;
	[smem:$0x3FB9] =	sst s0  }
0x18: {  	s0 =	sld [smem:$0x3F9C];
	_ =	swait.ge [sflag:s4], $0x0  }
0x19: {  	s7 =	sld [smem:$0x3F9D]  }
0x1a: {  	s8 =	sadd.s32 $0xFFFFE003, lr  }
0x1b: {  	s9 =	sadd.s32 $0xFFFFFEF7, lr;
	s5 =	simm.s32 $0xFFFFFFFF;
	p2 =	slt.u32 s8, $0xFFFFF086  }
0x1c: {  	p1 =	slt.u32 s9, $0xF7A;
	s5 =	simm.s32 @!p2 $0x0  }
0x1d: {  	s5 =	simm.s32 @p1 $0x1;
	p0 =	seq.s32 s7, s2  }
0x1e: {  	s7 =	smul.u32 @!p0 $0xF7A, s2;
	p2 =	seq.s32 @!p0 s5, $0x0  }
0x1f: {  	s9 =	smul.u32 $0xF7A, s1;
	s8 =	simm.s32 @!p0 $0x1BF5;
	p2 =	por !p2, p0  }
0x20: {  	[sflag:s8] =	ssyncset.s32 @!p0 $0xFFFFF086;
	s6 =	sadd.s32 @!p0 s3, s7;
	s7 =	simm.s32 @!p0 $0x108  }
0x21: {  	s3 =	sadd.s32 s3, s9;
	s6 =	sadd.s32 @!p0 $0x88, s6;
	s7 =	simm.s32 @p2 $0x1082  }
0x22: {  	[simem:s7], [sflag:s8] =	dma.local @!p0 [hbm:s6], $0xF7A  }
0x23: {  	s9 =	sor.u32 $0xD0000000, s2;
	s6 =	simm.s32 $0x108;
	_ =	swait.ge @!p0 [sflag:s8], $0x0  }
0x24: {  	s3 =	sadd.s32 $0x88, s3;
	s6 =	simm.s32 @!p1 $0x1082;
	[sflag:s4] =	ssyncset.s32 $0xFFFFF086  }
0x25: {  	[simem:s6], [sflag:s4] =	dma.local [hbm:s3], $0xF7A  }
0x26: {  	[smem:$0x3F9D] =	sst s1;
	(tag) =	ssettag s2;
	_ =	strace s9  }
0x27: {  	s1 =	sld [smem:$0x3FAD]  }
0x28: {  	s2 =	sld [smem:$0x3FAE]  }
0x29: {  	s4 =	sld [smem:$0x3FB0]  }
0x2a: {  	p0 =	seq.s32 s5, $0x0;
	s5 =	sld [smem:$0x3FB1]  }
0x2b: {  	s6 =	sld [smem:$0x3FB2]  }
0x2c: {  	s7 =	sld [smem:$0x3FB3]  }
0x2d: {  	s3 =	simm.s32 $0x108;
	s8 =	sld [smem:$0x3FB4]  }
0x2e: {  	s3 =	simm.s32 @!p0 $0x1082;
	s9 =	sld [smem:$0x3FB5]  }
0x2f: {  	lr =	sadd.s32 s0, s3;
	s0 =	sld [smem:$0x3FAC]  }
0x30: {  	s3 =	sld [smem:$0x3FAF]  }
0x31: {  	[smem:$0x3FB8] =	sst s10  }
0x32: {  	s10 =	sld [smem:$0x3FB6];
	_ =	sdelay $0x3  }
0x33: {  	p0 =	seq.s32 s10, $0x1;
	s10 =	sld [smem:$0x3FB8];
	_ =	sdelay $0x3  }
0x34: {  	[smem:$0x3FB8] =	sst s10  }
0x35: {  	s10 =	sld [smem:$0x3FB7];
	_ =	sdelay $0x3  }
0x36: {  	p1 =	seq.s32 s10, $0x1;
	s10 =	sld [smem:$0x3FB8];
	_ =	sdelay $0x3  }
0x37: {  	[smem:$0x3FB8] =	sst s10  }
0x38: {  	s10 =	sld [smem:$0x3FB9]  }
0x39: {  	_ = 	snop;
	(pc) =	sbr.ind lr, $3  }
0x3a: {  	_ = 	snop  }
0x3b: {  	_ = 	snop  }
0x3c: {  	p2 =	seq.s32 s10, $0x1;
	s10 =	sld [smem:$0x3FB8]  }
0x3d: {  	_ =	shalt  }
0x3e: {  	_ =	shalt  }
0x3f: {  	_ =	shalt  }
0x40: {  	_ =	shalt  }
0x41: {  	_ =	shalt  }
0x42: {  	_ =	shalt  }
0x43: {  	_ =	shalt  }
0x44: {  	_ =	shalt  }
0x45: {  	_ =	shalt  }
0x46: {  	_ =	shalt  }
0x47: {  	_ =	shalt  }
0x48: {  	_ =	shalt  }
0x49: {  	_ =	shalt  }
0x4a: {  	_ =	shalt  }
0x4b: {  	_ =	shalt  }
0x4c: {  	_ =	shalt  }
0x4d: {  	_ =	shalt  }
0x4e: {  	_ =	shalt  }
0x4f: {  	_ =	shalt  }
0x50: {  	_ =	shalt  }
0x51: {  	_ =	shalt  }
0x52: {  	_ =	shalt  }
0x53: {  	_ =	shalt  }
0x54: {  	_ =	shalt  }
0x55: {  	_ =	shalt  }
0x56: {  	_ =	shalt  }
0x57: {  	_ =	shalt  }
0x58: {  	_ =	shalt  }
0x59: {  	_ =	shalt  }
0x5a: {  	_ =	shalt  }
0x5b: {  	_ =	shalt  }
0x5c: {  	_ =	shalt  }
0x5d: {  	_ =	shalt  }
0x5e: {  	_ =	shalt  }
0x5f: {  	_ =	shalt  }
0x60: {  	_ =	shalt  }
0x61: {  	_ =	shalt  }
0x62: {  	_ =	shalt  }
0x63: {  	_ =	shalt  }
0x64: {  	_ =	shalt  }
0x65: {  	_ =	shalt  }
0x66: {  	_ =	shalt  }
0x67: {  	_ =	shalt  }
0x68: {  	_ =	shalt  }
0x69: {  	_ =	shalt  }
0x6a: {  	_ =	shalt  }
0x6b: {  	_ =	shalt  }
0x6c: {  	_ =	shalt  }
0x6d: {  	_ =	shalt  }
0x6e: {  	_ =	shalt  }
0x6f: {  	_ =	shalt  }
0x70: {  	_ =	shalt  }
0x71: {  	_ =	shalt  }
0x72: {  	_ =	shalt  }
0x73: {  	_ =	shalt  }
0x74: {  	_ =	shalt  }
0x75: {  	_ =	shalt  }
0x76: {  	_ =	shalt  }
0x77: {  	_ =	shalt  }
0x78: {  	_ =	shalt  }
0x79: {  	_ =	shalt  }
0x7a: {  	_ =	shalt  }
0x7b: {  	_ =	shalt  }
0x7c: {  	_ =	shalt  }
0x7d: {  	_ =	shalt  }
0x7e: {  	_ =	shalt  }
0x7f: {  	_ =	shalt  }
0x80: {  	_ =	shalt  }
0x81: {  	_ =	shalt  }
0x82: {  	_ =	shalt  }
0x83: {  	_ =	shalt  }
0x84: {  	_ =	shalt  }
0x85: {  	_ =	shalt  }
0x86: {  	_ =	shalt  }
0x87: {  	_ =	shalt  }
.Lfunc_end0:
.L_simem_size_0:
called_computation_lowered:
.L_overlay_start_0:
0x88: {  	s2 =	sld [smem:$0x3FD9]  }
0x89: {  	s3 =	sld [smem:$0x3FFE];
	_ =	sdelay $0x1  }
0x8a: {  	s1 =	srdreg.scid  }
0x8b: {  	s0 =	sand.u32 $0x1, s1  }
0x8c: {  	s17 =	sshll.u32 s0, $0xA;
	s2 =	sadd.s32 s3, s2  }
0x8d: {  	s2 =	sadd.s32 s2, s17  }
0x8e: {  	[smem:$0x3FC4] =	sst s2  }
0x8f: {  	_ = 	snop  }
0x90: {  	s2 =	sld [smem:$0x3FD0];
	(tm) =	ssettm $0x1  }
0x91: {  	s18 =	sld [smem:$0x3FFB];
	_ =	sdelay $0x3  }
0x92: {  	_ =	strace s18  }
0x93: {  	s3 =	sld [smem:$0x3FFC];
	_ =	sdelay $0x3  }
0x94: {  	_ =	strace s3  }
0x95: {  	s3 =	sld [smem:$0x3FFD];
	_ =	sdelay $0x3  }
0x96: {  	_ =	strace s3  }
0x97: {  	_ =	strace $0x8FFFFFFF  }
0x98: {  	s19 =	sld [smem:$0x3FDB];
	_ =	sdelay $0x1  }
0x99: {  	s4 =	simm.s32 $_scs_section_size  }
0x9a: {  	s5 =	simm.s32 $_size__tile_overlayer_lowered;
	s6 =	simm.s32 $_tile_overlayer_lowered  }
0x9b: {  	s22 =	simm.s32 $0x1BFF;
	s21 =	sshll.u32 s6, $0x1;
	s3 =	sadd.s32 s4, s19  }
0x9c: {  	s7 =	simm.s32 $0x0;
	s20 =	sshll.u32 s5, $0x1;
	s5 =	sadd.s32 s21, s3  }
0x9d: {  	[timem:s7], [sflag:s22] =	dma.local [hbm:s5], s20  }
0x9e: {  	_ =	swait.ge [sflag:s22], s20  }
0x9f: {  	s4 =	ssub.s32 $0x0, s20;
	[sflag:s22] =	ssyncset.done $0x0  }
0xa0: {  	[sflag:s22] =	ssyncadd.s32 s4;
	_ =	sdelay $0x1  }
0xa1: {  	s23 =	simm.s32 $0x1B8B  }
0xa2: {  	_ =	swait.ge [sflag:s23], $0x1  }
0xa3: {  	[sflag:s23] =	ssyncset.done $0x0  }
0xa4: {  	s25 =	simm.s32 $0x1B8E;
	s24 =	sld [smem:$0x3FFE];
	[sflag:s23] =	ssyncadd.s32 $0xFFFFFFFF  }
0xa5: {  	s26 =	simm.s32 $execute0_lowered;
	[smem:$0x3FD2] =	sst s25  }
0xa6: {  	s5 =	sshll.u32 s26, $0x1;
	_ =	strace $0x80000046;
	[dreg:$0x1] =	wrdreg $0xFFFFFFFF  }
0xa7: {  	s28 =	simm.s32 $_size_execute0_lowered;
	s3 =	sadd.s32 s3, s5;
	[dreg:$0x0] =	wrdreg $0x0  }
0xa8: {  	s5 =	sshll.u32 s28, $0x1;
	[dreg:$0x2] =	wrdreg s3  }
0xa9: {  	[dreg:$0x3] =	wrdreg s5  }
0xaa: {  	[dreg:$0x4] =	wrdreg $0xC0  }
0xab: {  	_ =	task [dreg:s7], $0x5FFFF  }
0xac: {  	[dreg:$0x1] =	wrdreg $0xFFFFFFFF  }
0xad: {  	[dreg:$0x0] =	wrdreg $0x60  }
0xae: {  	[dreg:$0x2] =	wrdreg s24  }
0xaf: {  	[dreg:$0x3] =	wrdreg s2  }
0xb0: {  	[dreg:$0x4] =	wrdreg $0x9  }
0xb1: {  	_ =	task.clear_ibuf [dreg:s7], $0x5FFFF;
	_ =	strace $0x90000046  }
0xb2: {  	s29 =	simm.s32 $0x9;
	_ =	strace $0x80000048  }
0xb3: {  	_ =	swait.ge [sflag:s29], $0x1  }
0xb4: {  	[sflag:s29] =	ssyncadd.s32 $0xFFFFFFFF  }
0xb5: {  	_ =	strace $0x90000048  }
0xb6: {  	_ =	sfence  }
0xb7: {  	s30 =	sld [smem:$0x0];
	_ =	sdelay $0x2  }
0xb8: {  	s31 =	sshll.u32 s1, $0xD;
	s1 =	sshrl.u32 s1, $0x2  }
0xb9: {  	s3 =	sand.u32 $0x4000, s31;
	s1 =	sadd.s32 s1, s30  }
0xba: {  	s0 =	sor.u32 s3, s0;
	s1 =	sshll.u32 s1, $0x11  }
0xbb: {  	s0 =	sor.u32 s1, s0  }
0xbc: {  	s0 =	sadd.s32 $0x8F2B, s0  }
0xbd: {  	[sflag:s0] =	ssyncadd.remote.s32 $0x1  }
0xbe: {  	_ =	sfence.sel $0xFFFF  }
0xbf: {  	[dreg:$0x0] =	wrdreg $0xFFFFFFFF;
	(pc) =	sbr.abs _section_cstart, $3  }
0xc0: {  	[dreg:$0x1] =	wrdreg $0xFFFFFFFF  }
0xc1: {  	_ =	task.clear_ibuf [dreg:s7], $0x2FFFF;
	_ =	strace $0x9FFFFFFF  }
0xc2: {  	(tm) =	ssettm $0x7FFFFFFF  }
0xc3: {  	_ =	shalt  }
tec
execute0_lowered:
.L_overlay_start_1:
0x0: {  	(tag) =	ssettag $0x1  }
0x1: {  	s3 =	rddreg [dreg:$0x0]  }
0x2: {  	s1 =	srdreg.scid;
	s5 =	rddreg [dreg:$0x1]  }
0x3: {  	s2 =	simm.s32 $0x0;
	s4 =	sand.u32 $0x1, s1;
	s1 =	rddreg [dreg:$0x2]  }
0x4: {  	s13 =	simm.s32 $0x80;
	[smem:$0x7FF] =	sst s2  }
0x5: {  	s14 =	simm.s32 $0x100;
	_ =	strace $0x80000047;
	[dreg:$0x5] =	wrdreg s13  }
0x6: {  	s15 =	simm.s32 $0x180;
	[dreg:$0x6] =	wrdreg s14  }
0x7: {  	s16 =	simm.s32 $0x200;
	[dreg:$0x7] =	wrdreg s15  }
0x8: {  	s17 =	simm.s32 $0x280;
	[dreg:$0x8] =	wrdreg s16  }
0x9: {  	s18 =	simm.s32 $0x300;
	[dreg:$0x9] =	wrdreg s17  }
0xa: {  	s19 =	simm.s32 $0x380;
	[dreg:$0xa] =	wrdreg s18  }
0xb: {  	s20 =	simm.s32 $0x400;
	[dreg:$0xb] =	wrdreg s19  }
0xc: {  	s21 =	simm.s32 $0x480;
	[dreg:$0xc] =	wrdreg s20  }
0xd: {  	s22 =	simm.s32 $0x500;
	[dreg:$0xd] =	wrdreg s21  }
0xe: {  	s23 =	simm.s32 $0x580;
	[dreg:$0xe] =	wrdreg s22  }
0xf: {  	s24 =	simm.s32 $0x600;
	[dreg:$0xf] =	wrdreg s23  }
0x10: {  	s25 =	simm.s32 $0x680;
	[dreg:$0x10] =	wrdreg s24  }
0x11: {  	s26 =	simm.s32 $0x700;
	[dreg:$0x11] =	wrdreg s25  }
0x12: {  	s0 =	stileid.u32;
	s29 =	simm.s32 $0x780;
	[dreg:$0x12] =	wrdreg s26  }
0x13: {  	s30 =	simm.s32 $0x800;
	s12 =	sshll.u32 s0, $0x1;
	[dreg:$0x13] =	wrdreg s29  }
0x14: {  	s31 =	simm.s32 $0x880;
	s6 =	sor.u32 s4, s12;
	[dreg:$0x14] =	wrdreg s30  }
0x15: {  	s4 =	ssub.s32 $0x2, s4;
	[dreg:$0x15] =	wrdreg s31;
	s7 =	sshll.u32 s6, $0x1  }
0x16: {  	vm0 =	vmmov $0x1;
	vm1 =	vcmask $0x308;
	vm2 =	vcmask $0x70C;
	s8 =	sshll.u32 s6, $0x4;
	p0 =	slt.u32 s6, $0xD;
	s7 =	sadd.s32 s7, s3  }
0x17: {  	vm3 =	vcmask $0xB10;
	vm4 =	vcmask $0xF14;
	vm5 =	vcmask $0x1318;
	s6 =	simm.f32 $1.000000000e+00;
	s28 =	sshrl.u32 s4, $0x1;
	s7 =	sadd.s32 $0xF43000, s7  }
0x18: {  	vm6 =	vcmask $0x171C;
	vm7 =	vcmask $0x1B20;
	vm8 =	vcmask $0x1F24;
	s5 =	sadd.s32 s5, s8;
	[dreg:$0x3] =	wrdreg s7;
	s7 =	simm.f32 $1.000000000e+00  }
0x19: {  	vm9 =	vcmask $0x2328;
	vm10 =	vcmask $0x272C;
	vm11 =	vcmask $0x2B30;
	s3 =	sadd.s32 $0xC00, s3;
	s7 =	simm.s32 @!p0 $0x0;
	p0 =	slt.u32 s0, $0x6  }
0x1a: {  	vm12 =	vcmask $0x2F34;
	vm13 =	vcmask $0x3338;
	vm14 =	vcmask $0x373C;
	s4 =	ssub.s32 s4, s28;
	[dreg:$0x4] =	wrdreg s5;
	s6 =	simm.s32 @!p0 $0x0  }
0x1b: {  	vm15 =	vmmov $0x7fff;
	s4 =	smax.u32 s4, $0x1;
	s5 =	simm.s32 $0x2;
	v0 =	vmov s7;
	v1 =	vmov s6;
	s6 =	simm.s32 $0x1  }
.LBB2_1:
0x1c: {  	s7 =	rddreg [dreg:$0x3]  }
0x1d: {  	[tilespmem:s2], [sflag:$0x2] =	stream.linear.gather [hbm4b:s7+s2], $0x10, $0x38;
	[tilespmem:$0x900] =	vst v63  }
0x1e: {  	_ =	swait.ge [sflag:s5], $0x10  }
0x1f: {  	[sflag:s5] =	ssyncset.done $0x0  }
0x20: {  	[sflag:s5] =	ssyncadd.s32 $0xFFFFFFF0  }
0x21: {  	v2 =	vld [tilespmem:$0x0];
	_ =	sdelay $0x4  }
0x22: {  	v3 =	vnsel vm0, $0xFFFFFFFF, v2  }
0x23: {  	v3 =	vxor.u32 $0x80000000, v3  }
0x24: {  	(xrf0) =	vmax.scan.msk.u32 $0xffff, v3;
	_ =	sdelay $0x1  }
0x25: {  	v3 =	vsel vm1, $0xFFFFFFFF, v2  }
0x26: {  	v3 =	vxor.u32 $0x80000000, v3;
	_ =	sdelay $0x1  }
0x27: {  	(xrf0) =	vmax.scan.msk.u32 $0xffff, v3  }
0x28: {  	v3, _, _ =	vpop (xrf0)  }
0x29: {  	(v2sf) =	vpush v3, $0xF;
	v3 =	vsel vm2, $0xFFFFFFFF, v2  }
0x2a: {  	v3 =	vxor.u32 $0x80000000, v3;
	_ =	sdelay $0x1  }
0x2b: {  	(xrf0) =	vmax.scan.msk.u32 $0xffff, v3  }
0x2c: {  	v3, _, _ =	vpop (xrf0)  }
0x2d: {  	(v2sf) =	vpush v3, $0xF;
	v3 =	vsel vm3, $0xFFFFFFFF, v2  }
0x2e: {  	v3 =	vxor.u32 $0x80000000, v3;
	_ =	sdelay $0x1  }
0x2f: {  	(xrf0) =	vmax.scan.msk.u32 $0xffff, v3  }
0x30: {  	v3, _, _ =	vpop (xrf0)  }
0x31: {  	(v2sf) =	vpush v3, $0xF;
	v3 =	vsel vm4, $0xFFFFFFFF, v2  }
0x32: {  	v3 =	vxor.u32 $0x80000000, v3;
	_ =	sdelay $0x1  }
0x33: {  	(xrf0) =	vmax.scan.msk.u32 $0xffff, v3  }
0x34: {  	v3, _, _ =	vpop (xrf0)  }
0x35: {  	s20 =	spop (v2sf);
	(v2sf) =	vpush v3, $0xF;
	v3 =	vsel vm5, $0xFFFFFFFF, v2  }
0x36: {  	s7 =	sshll.u32 s20, $0x4;
	v3 =	vxor.u32 $0x80000000, v3  }
0x37: {  	s7 =	sand.u32 $0x1FFFFFF0, s7  }
0x38: {  	s8 =	rddreg [dreg:$0x5];
	(xrf0) =	vmax.scan.msk.u32 $0xffff, v3;
	s7 =	sadd.s32 s3, s7  }
0x39: {  	[tilespmem:s8], [sflag:$0x1] =	stream.linear.gather [hbm4b:s7+s2], $0x80, $0x38;
	v3, _, _ =	vpop (xrf0);
	[tilespmem:$0x900] =	vst v63  }
0x3a: {  	s21 =	spop (v2sf);
	(v2sf) =	vpush v3, $0xF;
	v3 =	vsel vm6, $0xFFFFFFFF, v2  }
0x3b: {  	s7 =	sshll.u32 s21, $0x4;
	v3 =	vxor.u32 $0x80000000, v3  }
0x3c: {  	s7 =	sand.u32 $0x1FFFFFF0, s7  }
0x3d: {  	s22 =	rddreg [dreg:$0x6];
	(xrf0) =	vmax.scan.msk.u32 $0xffff, v3;
	s7 =	sadd.s32 s3, s7  }
0x3e: {  	[tilespmem:s22], [sflag:$0x1] =	stream.linear.gather [hbm4b:s7+s2], $0x80, $0x38;
	v3, _, _ =	vpop (xrf0);
	[tilespmem:$0x900] =	vst v63  }
0x3f: {  	s23 =	spop (v2sf);
	(v2sf) =	vpush v3, $0xF;
	v3 =	vsel vm7, $0xFFFFFFFF, v2  }
0x40: {  	s7 =	sshll.u32 s23, $0x4;
	v3 =	vxor.u32 $0x80000000, v3  }
0x41: {  	s7 =	sand.u32 $0x1FFFFFF0, s7  }
0x42: {  	s24 =	rddreg [dreg:$0x7];
	(xrf0) =	vmax.scan.msk.u32 $0xffff, v3;
	s7 =	sadd.s32 s3, s7  }
0x43: {  	[tilespmem:s24], [sflag:$0x1] =	stream.linear.gather [hbm4b:s7+s2], $0x80, $0x38;
	v3, _, _ =	vpop (xrf0);
	[tilespmem:$0x900] =	vst v63  }
0x44: {  	s25 =	spop (v2sf);
	(v2sf) =	vpush v3, $0xF;
	v3 =	vsel vm8, $0xFFFFFFFF, v2  }
0x45: {  	s7 =	sshll.u32 s25, $0x4;
	v3 =	vxor.u32 $0x80000000, v3  }
0x46: {  	s7 =	sand.u32 $0x1FFFFFF0, s7  }
0x47: {  	s26 =	rddreg [dreg:$0x8];
	(xrf0) =	vmax.scan.msk.u32 $0xffff, v3;
	s7 =	sadd.s32 s3, s7  }
0x48: {  	[tilespmem:s26], [sflag:$0x1] =	stream.linear.gather [hbm4b:s7+s2], $0x80, $0x38;
	v3, _, _ =	vpop (xrf0);
	[tilespmem:$0x900] =	vst v63  }
0x49: {  	s28 =	spop (v2sf);
	(v2sf) =	vpush v3, $0xF;
	v3 =	vsel vm9, $0xFFFFFFFF, v2  }
0x4a: {  	s7 =	sshll.u32 s28, $0x4;
	v3 =	vxor.u32 $0x80000000, v3  }
0x4b: {  	s7 =	sand.u32 $0x1FFFFFF0, s7  }
0x4c: {  	s29 =	rddreg [dreg:$0x9];
	(xrf0) =	vmax.scan.msk.u32 $0xffff, v3;
	s7 =	sadd.s32 s3, s7  }
0x4d: {  	[tilespmem:s29], [sflag:$0x1] =	stream.linear.gather [hbm4b:s7+s2], $0x80, $0x38;
	v3, _, _ =	vpop (xrf0);
	[tilespmem:$0x900] =	vst v63  }
0x4e: {  	s30 =	spop (v2sf);
	(v2sf) =	vpush v3, $0xF;
	v3 =	vsel vm10, $0xFFFFFFFF, v2  }
0x4f: {  	s7 =	sshll.u32 s30, $0x4;
	v3 =	vxor.u32 $0x80000000, v3  }
0x50: {  	s7 =	sand.u32 $0x1FFFFFF0, s7  }
0x51: {  	s31 =	rddreg [dreg:$0xa];
	(xrf0) =	vmax.scan.msk.u32 $0xffff, v3;
	s7 =	sadd.s32 s3, s7  }
0x52: {  	[tilespmem:s31], [sflag:$0x1] =	stream.linear.gather [hbm4b:s7+s2], $0x80, $0x38;
	v3, _, _ =	vpop (xrf0);
	[tilespmem:$0x900] =	vst v63  }
0x53: {  	s9 =	spop (v2sf);
	(v2sf) =	vpush v3, $0xF;
	v3 =	vsel vm11, $0xFFFFFFFF, v2  }
0x54: {  	s7 =	sshll.u32 s9, $0x4;
	v3 =	vxor.u32 $0x80000000, v3  }
0x55: {  	s7 =	sand.u32 $0x1FFFFFF0, s7  }
0x56: {  	s10 =	rddreg [dreg:$0xb];
	(xrf0) =	vmax.scan.msk.u32 $0xffff, v3;
	s7 =	sadd.s32 s3, s7  }
0x57: {  	[tilespmem:s10], [sflag:$0x1] =	stream.linear.gather [hbm4b:s7+s2], $0x80, $0x38;
	v3, _, _ =	vpop (xrf0);
	[tilespmem:$0x900] =	vst v63  }
0x58: {  	s11 =	spop (v2sf);
	(v2sf) =	vpush v3, $0xF;
	v3 =	vsel vm12, $0xFFFFFFFF, v2  }
0x59: {  	s7 =	sshll.u32 s11, $0x4;
	v3 =	vxor.u32 $0x80000000, v3  }
0x5a: {  	s7 =	sand.u32 $0x1FFFFFF0, s7  }
0x5b: {  	s12 =	rddreg [dreg:$0xc];
	(xrf0) =	vmax.scan.msk.u32 $0xffff, v3;
	s7 =	sadd.s32 s3, s7  }
0x5c: {  	[tilespmem:s12], [sflag:$0x1] =	stream.linear.gather [hbm4b:s7+s2], $0x80, $0x38;
	v3, _, _ =	vpop (xrf0);
	[tilespmem:$0x900] =	vst v63  }
0x5d: {  	s13 =	spop (v2sf);
	(v2sf) =	vpush v3, $0xF;
	v3 =	vsel vm13, $0xFFFFFFFF, v2  }
0x5e: {  	s7 =	sshll.u32 s13, $0x4;
	v3 =	vxor.u32 $0x80000000, v3  }
0x5f: {  	s7 =	sand.u32 $0x1FFFFFF0, s7  }
0x60: {  	s14 =	rddreg [dreg:$0xd];
	(xrf0) =	vmax.scan.msk.u32 $0xffff, v3;
	s7 =	sadd.s32 s3, s7  }
0x61: {  	[tilespmem:s14], [sflag:$0x1] =	stream.linear.gather [hbm4b:s7+s2], $0x80, $0x38;
	v3, _, _ =	vpop (xrf0);
	[tilespmem:$0x900] =	vst v63  }
0x62: {  	s15 =	spop (v2sf);
	(v2sf) =	vpush v3, $0xF;
	v3 =	vsel vm14, $0xFFFFFFFF, v2  }
0x63: {  	s7 =	sshll.u32 s15, $0x4;
	v3 =	vxor.u32 $0x80000000, v3  }
0x64: {  	s7 =	sand.u32 $0x1FFFFFF0, s7  }
0x65: {  	s16 =	rddreg [dreg:$0xe];
	(xrf0) =	vmax.scan.msk.u32 $0xffff, v3;
	s7 =	sadd.s32 s3, s7  }
0x66: {  	[tilespmem:s16], [sflag:$0x1] =	stream.linear.gather [hbm4b:s7+s2], $0x80, $0x38;
	v3, _, _ =	vpop (xrf0);
	[tilespmem:$0x900] =	vst v63  }
0x67: {  	v2 =	vsel vm15, $0xFFFFFFFF, v2;
	s17 =	spop (v2sf);
	(v2sf) =	vpush v3, $0xF  }
0x68: {  	v2 =	vxor.u32 $0x80000000, v2;
	s7 =	sshll.u32 s17, $0x4  }
0x69: {  	s7 =	sand.u32 $0x1FFFFFF0, s7  }
0x6a: {  	s18 =	rddreg [dreg:$0xf];
	(xrf0) =	vmax.scan.msk.u32 $0xffff, v2;
	s7 =	sadd.s32 s3, s7  }
0x6b: {  	v2, _, _ =	vpop (xrf0);
	[tilespmem:s18], [sflag:$0x1] =	stream.linear.gather [hbm4b:s7+s2], $0x80, $0x38;
	[tilespmem:$0x900] =	vst v63  }
0x6c: {  	s19 =	spop (v2sf);
	(v2sf) =	vpush v2, $0xF  }
0x6d: {  	s7 =	sshll.u32 s19, $0x4  }
0x6e: {  	s7 =	sand.u32 $0x1FFFFFF0, s7  }
0x6f: {  	s20 =	rddreg [dreg:$0x10];
	s7 =	sadd.s32 s3, s7  }
0x70: {  	v2, _, _ =	vpop (xrf0);
	[tilespmem:s20], [sflag:$0x1] =	stream.linear.gather [hbm4b:s7+s2], $0x80, $0x38;
	[tilespmem:$0x900] =	vst v63  }
0x71: {  	s21 =	spop (v2sf);
	(v2sf) =	vpush v2, $0xF  }
0x72: {  	s7 =	sshll.u32 s21, $0x4  }
0x73: {  	s7 =	sand.u32 $0x1FFFFFF0, s7  }
0x74: {  	s22 =	rddreg [dreg:$0x11];
	s7 =	sadd.s32 s3, s7  }
0x75: {  	[tilespmem:s22], [sflag:$0x1] =	stream.linear.gather [hbm4b:s7+s2], $0x80, $0x38;
	[tilespmem:$0x900] =	vst v63  }
0x76: {  	s23 =	spop (v2sf)  }
0x77: {  	s7 =	sshll.u32 s23, $0x4  }
0x78: {  	s7 =	sand.u32 $0x1FFFFFF0, s7  }
0x79: {  	s24 =	rddreg [dreg:$0x12];
	s7 =	sadd.s32 s3, s7  }
0x7a: {  	[tilespmem:s24], [sflag:$0x1] =	stream.linear.gather [hbm4b:s7+s2], $0x80, $0x38;
	[tilespmem:$0x900] =	vst v63  }
0x7b: {  	s25 =	spop (v2sf)  }
0x7c: {  	s7 =	sshll.u32 s25, $0x4  }
0x7d: {  	s7 =	sand.u32 $0x1FFFFFF0, s7  }
0x7e: {  	s26 =	rddreg [dreg:$0x13];
	s7 =	sadd.s32 s3, s7  }
0x7f: {  	[tilespmem:s26], [sflag:$0x1] =	stream.linear.gather [hbm4b:s7+s2], $0x80, $0x38;
	[tilespmem:$0x900] =	vst v63  }
0x80: {  	s28 =	spop (v2sf)  }
0x81: {  	s7 =	sshll.u32 s28, $0x4  }
0x82: {  	s7 =	sand.u32 $0x1FFFFFF0, s7  }
0x83: {  	s29 =	rddreg [dreg:$0x14];
	s7 =	sadd.s32 s3, s7  }
0x84: {  	[tilespmem:s29], [sflag:$0x1] =	stream.linear.gather [hbm4b:s7+s2], $0x80, $0x38;
	[tilespmem:$0x900] =	vst v63  }
0x85: {  	_ =	swait.ge [sflag:s6], $0x80  }
0x86: {  	[sflag:s6] =	ssyncset.done $0x0  }
0x87: {  	[sflag:s6] =	ssyncadd.s32 $0xFFFFFF80  }
0x88: {  	_ =	swait.ge [sflag:s6], $0x80  }
0x89: {  	[sflag:s6] =	ssyncset.done $0x0  }
0x8a: {  	[sflag:s6] =	ssyncadd.s32 $0xFFFFFF80  }
0x8b: {  	_ =	swait.ge [sflag:s6], $0x80  }
0x8c: {  	[sflag:s6] =	ssyncset.done $0x0  }
0x8d: {  	[sflag:s6] =	ssyncadd.s32 $0xFFFFFF80  }
0x8e: {  	_ =	swait.ge [sflag:s6], $0x80  }
0x8f: {  	[sflag:s6] =	ssyncset.done $0x0  }
0x90: {  	[sflag:s6] =	ssyncadd.s32 $0xFFFFFF80  }
0x91: {  	_ =	swait.ge [sflag:s6], $0x80  }
0x92: {  	[sflag:s6] =	ssyncset.done $0x0  }
0x93: {  	[sflag:s6] =	ssyncadd.s32 $0xFFFFFF80  }
0x94: {  	_ =	swait.ge [sflag:s6], $0x80  }
0x95: {  	[sflag:s6] =	ssyncset.done $0x0  }
0x96: {  	[sflag:s6] =	ssyncadd.s32 $0xFFFFFF80  }
0x97: {  	_ =	swait.ge [sflag:s6], $0x80  }
0x98: {  	[sflag:s6] =	ssyncset.done $0x0  }
0x99: {  	[sflag:s6] =	ssyncadd.s32 $0xFFFFFF80  }
0x9a: {  	_ =	swait.ge [sflag:s6], $0x80  }
0x9b: {  	[sflag:s6] =	ssyncset.done $0x0  }
0x9c: {  	[sflag:s6] =	ssyncadd.s32 $0xFFFFFF80  }
0x9d: {  	_ =	swait.ge [sflag:s6], $0x80  }
0x9e: {  	[sflag:s6] =	ssyncset.done $0x0  }
0x9f: {  	[sflag:s6] =	ssyncadd.s32 $0xFFFFFF80  }
0xa0: {  	_ =	swait.ge [sflag:s6], $0x80  }
0xa1: {  	[sflag:s6] =	ssyncset.done $0x0  }
0xa2: {  	[sflag:s6] =	ssyncadd.s32 $0xFFFFFF80  }
0xa3: {  	_ =	swait.ge [sflag:s6], $0x80  }
0xa4: {  	[sflag:s6] =	ssyncset.done $0x0  }
0xa5: {  	[sflag:s6] =	ssyncadd.s32 $0xFFFFFF80  }
0xa6: {  	_ =	swait.ge [sflag:s6], $0x80  }
0xa7: {  	[sflag:s6] =	ssyncset.done $0x0  }
0xa8: {  	[sflag:s6] =	ssyncadd.s32 $0xFFFFFF80  }
0xa9: {  	_ =	swait.ge [sflag:s6], $0x80  }
0xaa: {  	[sflag:s6] =	ssyncset.done $0x0  }
0xab: {  	[sflag:s6] =	ssyncadd.s32 $0xFFFFFF80  }
0xac: {  	_ =	swait.ge [sflag:s6], $0x80  }
0xad: {  	[sflag:s6] =	ssyncset.done $0x0  }
0xae: {  	[sflag:s6] =	ssyncadd.s32 $0xFFFFFF80  }
0xaf: {  	_ =	swait.ge [sflag:s6], $0x80  }
0xb0: {  	[sflag:s6] =	ssyncset.done $0x0  }
0xb1: {  	[sflag:s6] =	ssyncadd.s32 $0xFFFFFF80  }
0xb2: {  	_ =	swait.ge [sflag:s6], $0x80  }
0xb3: {  	[sflag:s6] =	ssyncset.done $0x0  }
0xb4: {  	[sflag:s6] =	ssyncadd.s32 $0xFFFFFF80  }
0xb5: {  	v2 =	vld [tilespmem:$0x80]  }
0xb6: {  	v3 =	vld [tilespmem:$0x90]  }
0xb7: {  	v4 =	vld [tilespmem:$0xA0]  }
0xb8: {  	v5 =	vld [tilespmem:$0xB0]  }
0xb9: {  	v6 =	vld [tilespmem:$0x100]  }
0xba: {  	v7 =	vld [tilespmem:$0x110]  }
0xbb: {  	v8 =	vld [tilespmem:$0x120]  }
0xbc: {  	v9 =	vld [tilespmem:$0x130]  }
0xbd: {  	v10 =	vld [tilespmem:$0x180]  }
0xbe: {  	v11 =	vld [tilespmem:$0x190]  }
0xbf: {  	v12 =	vld [tilespmem:$0x1A0]  }
0xc0: {  	v13 =	vld [tilespmem:$0x1B0]  }
0xc1: {  	v14 =	vld [tilespmem:$0x200]  }
0xc2: {  	v15 =	vld [tilespmem:$0x210]  }
0xc3: {  	v16 =	vld [tilespmem:$0x220]  }
0xc4: {  	v17 =	vld [tilespmem:$0x230]  }
0xc5: {  	v18 =	vld [tilespmem:$0x280]  }
0xc6: {  	v19 =	vld [tilespmem:$0x290]  }
0xc7: {  	v20 =	vld [tilespmem:$0x2A0]  }
0xc8: {  	v21 =	vld [tilespmem:$0x2B0]  }
0xc9: {  	v22 =	vld [tilespmem:$0x300]  }
0xca: {  	v23 =	vld [tilespmem:$0x310]  }
0xcb: {  	v24 =	vld [tilespmem:$0x320];
	v2 =	vmul.f32 v2, v0;
	v3 =	vmul.f32 v3, v0  }
0xcc: {  	v25 =	vld [tilespmem:$0x330];
	v4 =	vmul.f32 v4, v0;
	v5 =	vmul.f32 v5, v0  }
0xcd: {  	v26 =	vld [tilespmem:$0x380];
	v6 =	vmul.f32 v6, v0;
	v7 =	vmul.f32 v7, v0  }
0xce: {  	v27 =	vld [tilespmem:$0x390];
	v8 =	vmul.f32 v8, v0;
	v9 =	vmul.f32 v9, v0  }
0xcf: {  	v28 =	vld [tilespmem:$0x3A0];
	v56 =	vmul.f32 v10, v0;
	v57 =	vmul.f32 v11, v0  }
0xd0: {  	v29 =	vld [tilespmem:$0x3B0];
	v58 =	vmul.f32 v12, v0;
	v59 =	vmul.f32 v13, v0  }
0xd1: {  	v30 =	vld [tilespmem:$0x400];
	v60 =	vmul.f32 v14, v0;
	v61 =	vmul.f32 v15, v0  }
0xd2: {  	v31 =	vld [tilespmem:$0x410];
	v62 =	vmul.f32 v16, v0;
	v63 =	vmul.f32 v17, v0  }
0xd3: {  	v32 =	vld [tilespmem:$0x420];
	v33 =	vmul.f32 v18, v0;
	v34 =	vmul.f32 v19, v0  }
0xd4: {  	v35 =	vld [tilespmem:$0x510];
	v36 =	vmul.f32 v20, v0;
	v37 =	vmul.f32 v21, v0  }
0xd5: {  	v38 =	vld [tilespmem:$0x520];
	v39 =	vmul.f32 v22, v0;
	v41 =	vmul.f32 v23, v0  }
0xd6: {  	v40 =	vld [tilespmem:$0x530];
	v43 =	vmul.f32 v24, v0;
	v44 =	vmul.f32 v25, v0  }
0xd7: {  	v42 =	vld [tilespmem:$0x580];
	v46 =	vmul.f32 v26, v0;
	v47 =	vmul.f32 v27, v0  }
0xd8: {  	v50 =	vld [tilespmem:$0x5B0];
	v49 =	vmul.f32 v28, v0;
	v51 =	vmul.f32 v29, v0  }
0xd9: {  	v10 =	vld [tilespmem:$0x4B0];
	v53 =	vmul.f32 v30, v0;
	v54 =	vmul.f32 v31, v0  }
0xda: {  	v12 =	vld [tilespmem:$0x500];
	v25 =	vmul.f32 v35, v1;
	v27 =	vmul.f32 v38, v1;
	v2 =	vadd.f32 $0.0e+00, v2  }
0xdb: {  	v29 =	vmul.f32 v40, v1;
	v30 =	vld [tilespmem:$0x700];
	v3 =	vadd.f32 $0.0e+00, v3;
	v4 =	vadd.f32 $0.0e+00, v4  }
0xdc: {  	v45 =	vld [tilespmem:$0x590];
	v31 =	vmul.f32 v42, v1;
	v5 =	vadd.f32 $0.0e+00, v5;
	v2 =	vadd.f32 v6, v2  }
0xdd: {  	v11 =	vld [tilespmem:$0x490];
	v35 =	vmul.f32 v50, v1;
	v3 =	vadd.f32 v7, v3;
	v4 =	vadd.f32 v8, v4  }
0xde: {  	v13 =	vld [tilespmem:$0x4A0];
	v5 =	vadd.f32 v9, v5;
	v10 =	vmul.f32 v10, v1;
	v2 =	vadd.f32 v56, v2  }
0xdf: {  	v7 =	vld [tilespmem:$0x430];
	v22 =	vmul.f32 v12, v1;
	v3 =	vadd.f32 v57, v3;
	v4 =	vadd.f32 v58, v4  }
0xe0: {  	v9 =	vld [tilespmem:$0x480];
	v50 =	vmul.f32 v30, v1;
	v5 =	vadd.f32 v59, v5;
	v2 =	vadd.f32 v60, v2  }
0xe1: {  	v48 =	vld [tilespmem:$0x5A0];
	v56 =	vmul.f32 v32, v0;
	v3 =	vadd.f32 v61, v3;
	v4 =	vadd.f32 v62, v4  }
0xe2: {  	v52 =	vld [tilespmem:$0x600];
	v32 =	vmul.f32 v45, v1;
	v5 =	vadd.f32 v63, v5;
	v2 =	vadd.f32 v33, v2  }
0xe3: {  	v28 =	vld [tilespmem:$0x6B0];
	v60 =	vmul.f32 v11, v1;
	v62 =	vmul.f32 v13, v1;
	v3 =	vadd.f32 v34, v3  }
0xe4: {  	v59 =	vld [tilespmem:$0x630];
	v7 =	vmul.f32 v7, v0;
	v4 =	vadd.f32 v36, v4;
	v2 =	vadd.f32 v39, v2  }
0xe5: {  	v45 =	vld [tilespmem:$0x7A0];
	v58 =	vmul.f32 v9, v1;
	v5 =	vadd.f32 v37, v5;
	v3 =	vadd.f32 v41, v3  }
0xe6: {  	v55 =	vld [tilespmem:$0x610];
	v34 =	vmul.f32 v48, v1;
	v4 =	vadd.f32 v43, v4;
	v2 =	vadd.f32 v46, v2  }
0xe7: {  	v57 =	vld [tilespmem:$0x620];
	v37 =	vmul.f32 v52, v1;
	v5 =	vadd.f32 v44, v5;
	v3 =	vadd.f32 v47, v3  }
0xe8: {  	v61 =	vld [tilespmem:$0x680];
	v48 =	vmul.f32 v28, v1;
	v4 =	vadd.f32 v49, v4;
	v2 =	vadd.f32 v53, v2  }
0xe9: {  	v63 =	vld [tilespmem:$0x690];
	v9 =	vmul.f32 v59, v1;
	v5 =	vadd.f32 v51, v5;
	v3 =	vadd.f32 v54, v3  }
0xea: {  	v26 =	vld [tilespmem:$0x6A0];
	v59 =	vmul.f32 v45, v1;
	v4 =	vadd.f32 v56, v4;
	v2 =	vadd.f32 v58, v2  }
0xeb: {  	v33 =	vld [tilespmem:$0x710];
	v39 =	vmul.f32 v55, v1;
	v5 =	vadd.f32 v7, v5;
	v3 =	vadd.f32 v60, v3  }
0xec: {  	v52 =	vld [tilespmem:$0x810];
	v41 =	vmul.f32 v57, v1;
	v4 =	vadd.f32 v62, v4;
	v2 =	vadd.f32 v22, v2  }
0xed: {  	v36 =	vld [tilespmem:$0x720];
	v43 =	vmul.f32 v61, v1;
	v5 =	vadd.f32 v10, v5;
	v3 =	vadd.f32 v25, v3  }
0xee: {  	v38 =	vld [tilespmem:$0x730];
	v44 =	vmul.f32 v63, v1;
	v4 =	vadd.f32 v27, v4;
	v2 =	vadd.f32 v31, v2  }
0xef: {  	v40 =	vld [tilespmem:$0x780];
	v46 =	vmul.f32 v26, v1;
	v5 =	vadd.f32 v29, v5;
	v3 =	vadd.f32 v32, v3  }
0xf0: {  	v42 =	vld [tilespmem:$0x790];
	v51 =	vmul.f32 v33, v1;
	v4 =	vadd.f32 v34, v4;
	v2 =	vadd.f32 v37, v2  }
0xf1: {  	v49 =	vld [tilespmem:$0x800];
	v61 =	vmul.f32 v52, v1;
	v5 =	vadd.f32 v35, v5;
	v3 =	vadd.f32 v39, v3  }
0xf2: {  	v47 =	vld [tilespmem:$0x7B0];
	v53 =	vmul.f32 v36, v1;
	v4 =	vadd.f32 v41, v4;
	v2 =	vadd.f32 v43, v2  }
0xf3: {  	v55 =	vld [tilespmem:$0x820];
	v54 =	vmul.f32 v38, v1;
	v5 =	vadd.f32 v9, v5;
	v3 =	vadd.f32 v44, v3  }
0xf4: {  	v57 =	vld [tilespmem:$0x830];
	v56 =	vmul.f32 v40, v1;
	v4 =	vadd.f32 v46, v4;
	v2 =	vadd.f32 v50, v2  }
0xf5: {  	v58 =	vmul.f32 v42, v1;
	v5 =	vadd.f32 v48, v5;
	v3 =	vadd.f32 v51, v3  }
0xf6: {  	v8 =	vmul.f32 v49, v1;
	v4 =	vadd.f32 v53, v4;
	v2 =	vadd.f32 v56, v2  }
0xf7: {  	v60 =	vmul.f32 v47, v1;
	v5 =	vadd.f32 v54, v5;
	v3 =	vadd.f32 v58, v3  }
0xf8: {  	v62 =	vmul.f32 v55, v1;
	v4 =	vadd.f32 v59, v4;
	v2 =	vadd.f32 v8, v2  }
0xf9: {  	v63 =	vmul.f32 v57, v1;
	v5 =	vadd.f32 v60, v5;
	v3 =	vadd.f32 v61, v3  }
0xfa: {  	v4 =	vadd.f32 v62, v4;
	[tilespmem:$0x880] =	vst v2  }
0xfb: {  	v2 =	vadd.f32 v63, v5;
	[tilespmem:$0x890] =	vst v3  }
0xfc: {  	p0 =	sne.s32 s4, $0x1;
	s30 =	rddreg [dreg:$0x4];
	[tilespmem:$0x8A0] =	vst v4  }
.Ltmp0:
0xfd: {  	s31 =	rddreg [dreg:$0x15];
	[tilespmem:$0x8B0] =	vst v2;
	(pc) =	sbr.rel @p0 .LBB2_1-.Ltmp0, $4  }
0xfe: {  	[hbm4b:s30+s2] =	stream.linear.scatter [tilespmem:s31], [sflag:$0x2], $0x80, $0x38;
	[tilespmem:$0x900] =	vst v63  }
0xff: {  	_ =	swait.ge [sflag:s5], $0x80  }
0x100: {  	[sflag:s5] =	ssyncset.done $0x0  }
0x101: {  	s4 =	sadd.s32 $0xFFFFFFFF, s4;
	[sflag:s5] =	ssyncadd.s32 $0xFFFFFF80  }
0x102: {  	_ =	sfence.sel $0x180000  }
0x103: {  	[bflag:$0x0] =	sbarrier.arrive $0xFFFF  }
0x104: {  	p0 =	sne.s32 s0, $0x0;
	_ =	strace $0x90000047  }
0x105: {  	s0 =	sadd.s32 @!p0 $0x100000, s1;
	[bflag:$0x2] =	sbarrier.arrive $0xFFFF  }
0x106: {  	[sflag:s0] =	ssyncadd.tile.s32 @!p0 $0x1;
	_ =	shalt  }
.Lfunc_end2:
_tile_overlayer_lowered:
.L_overlay_start_2:
0x107: {  	(tag) =	ssettag $0x2  }
0x108: {  	s0 =	rddreg [dreg:$0x0];
	s2 =	stileid.u32  }
0x109: {  	s1 =	rddreg [dreg:$0x1];
	p0 =	sne.s32 s2, $0x0  }
0x10a: {  	s3 =	rddreg [dreg:$0x2];
	[bflag:$0x3] =	sbarrier.arrive $0xFFFF;
	s2 =	simm.s32 @!p0 $0x1C02  }
0x10b: {  	[timem:s3], [sflag:s2] =	dma.local @!p0 [hbm:s0], s1  }
0x10c: {  	s0 =	simm.s32 @!p0 $0x2  }
0x10d: {  	_ =	swait.ge @!p0 [sflag:s0], s1  }
0x10e: {  	s1 =	ssub.s32 @!p0 $0x0, s1;
	[sflag:s0] =	ssyncset.done @!p0 $0x0  }
0x10f: {  	[sflag:s0] =	ssyncadd.s32 @!p0 s1  }
0x110: {  	[bflag:$0x3] =	sbarrier.arrive $0xFFFF  }
0x111: {  	_ =	shalt  }

</sc_bundles>
